<compile_context>
chip_gen: v7x
topology: tpu7x:2x2x1
jax: 0.10.2.dev20260603
libtpu: 0.0.44.dev20260713+nightly
codegen_flags: <defaults>
</compile_context>

<pallas_src>
import functools

import jax
import jax.numpy as jnp
from jax import lax
from jax.experimental import pallas as pl
from jax.experimental.pallas import tpu as pltpu
import jax.experimental.pallas.tpu_sc as plsc

B = 16
N = 8192
G = 256
K = 32
DPAD = 16

_IDX_BIG = 2**30


def _fps_body(x_ref, y_ref, z_ref, idx_ref, dists_ref):
    x = x_ref[...]
    y = y_ref[...]
    z = z_ref[...]
    col = lax.broadcasted_iota(jnp.int32, (B, N), 1)
    gcol = lax.broadcasted_iota(jnp.int32, (B, G), 1)
    dists_ref[...] = jnp.full((B, N), 1e10, jnp.float32)

    def step(g, carry):
        far, iacc = carry
        maskf = (col == far).astype(jnp.float32)
        cx = jnp.sum(x * maskf, axis=1, keepdims=True)
        cy = jnp.sum(y * maskf, axis=1, keepdims=True)
        cz = jnp.sum(z * maskf, axis=1, keepdims=True)
        dx = x - cx
        dy = y - cy
        dz = z - cz
        d = dx * dx + dy * dy + dz * dz
        dists = jnp.minimum(dists_ref[...], d)
        dists_ref[...] = dists
        m = jnp.max(dists, axis=1, keepdims=True)
        cand = jnp.where(dists == m, col, _IDX_BIG)
        far = jnp.min(cand, axis=1, keepdims=True)
        iacc = jnp.where(gcol == g + 1, far.astype(jnp.float32), iacc)
        return far, iacc

    far0 = jnp.zeros((B, 1), jnp.int32)
    iacc0 = jnp.zeros((B, G), jnp.float32)
    _, iacc = lax.fori_loop(0, G - 1, step, (far0, iacc0))
    idx_ref[...] = iacc.astype(jnp.int32)


def _run_fps(x, y, z):
    return pl.pallas_call(
        _fps_body,
        out_shape=jax.ShapeDtypeStruct((B, G), jnp.int32),
        scratch_shapes=[pltpu.VMEM((B, N), jnp.float32)],
    )(x, y, z)


def _knn_body(d_ref, idx_ref, ds_ref):
    b = pl.program_id(0)
    ds_ref[...] = d_ref[0]
    col = lax.broadcasted_iota(jnp.int32, (G, N), 1)
    kcol = lax.broadcasted_iota(jnp.int32, (G, K), 1)

    def step(s, acc):
        d = ds_ref[...]
        m = jnp.min(d, axis=1, keepdims=True)
        cand = jnp.where(d == m, col, _IDX_BIG)
        j = jnp.min(cand, axis=1, keepdims=True)
        acc = jnp.where(kcol == s, j, acc)
        ds_ref[...] = jnp.where(col == j, jnp.inf, d)
        return acc

    acc0 = jnp.zeros((G, K), jnp.int32)
    acc = lax.fori_loop(0, K, step, acc0)
    idx_ref[...] = (acc + b * N)[None]


def _run_knn(d):
    return pl.pallas_call(
        _knn_body,
        grid=(B,),
        in_specs=[
            pl.BlockSpec((1, G, N), lambda b: (b, 0, 0)),
        ],
        out_specs=pl.BlockSpec((1, G, K), lambda b: (b, 0, 0)),
        out_shape=jax.ShapeDtypeStruct((B, G, K), jnp.int32),
        scratch_shapes=[pltpu.VMEM((G, N), jnp.float32)],
        compiler_params=pltpu.CompilerParams(
            vmem_limit_bytes=60 * 1024 * 1024),
    )(d)


_SC_NUM_CORES = 2
_SC_NUM_SUBCORES = 16
_NW = _SC_NUM_CORES * _SC_NUM_SUBCORES
_ROWS = B * G * K
_RPW = _ROWS // _NW
_GPW = _RPW // K
_ICH = 128
_NCH = _RPW // _ICH


def _gather_body(table_hbm, ctable_hbm, idx_hbm, out_hbm,
                 idx_v, rows_v, c_v, sem):
    wid = lax.axis_index("s") * _SC_NUM_CORES + lax.axis_index("c")
    base = wid * _RPW
    pltpu.sync_copy(idx_hbm.at[pl.ds(wid * _NCH, _NCH)], idx_v)
    handles = []
    for j in range(_NCH):
        handles.append(
            pltpu.async_copy(
                table_hbm.at[idx_v.at[j]],
                rows_v.at[pl.ds(j * _ICH, _ICH)],
                sem,
            )
        )
    for h in handles:
        h.wait()
    pltpu.sync_copy(ctable_hbm.at[pl.ds(wid * _GPW, _GPW)], c_v)

    def group_body(g, _):
        c = c_v[g]
        for s in range(K):
            r = g * K + s
            rows_v[r] = rows_v[r] - c
        return 0

    lax.fori_loop(0, _GPW, group_body, 0)
    pltpu.sync_copy(rows_v, out_hbm.at[pl.ds(base, _RPW)])


@functools.partial(jax.jit, static_argnums=())
def _run_gather(table, ctable, idx2d):
    mesh = plsc.VectorSubcoreMesh(core_axis_name="c", subcore_axis_name="s")
    return pl.kernel(
        _gather_body,
        out_type=jax.ShapeDtypeStruct((_ROWS, DPAD), jnp.float32),
        mesh=mesh,
        scratch_types=[
            pltpu.VMEM((_NCH, _ICH), jnp.int32),
            pltpu.VMEM((_RPW, DPAD), jnp.float32),
            pltpu.VMEM((_GPW, DPAD), jnp.float32),
            pltpu.SemaphoreType.DMA,
        ],
        compiler_params=pltpu.CompilerParams(use_tc_tiling_on_sc=False),
    )(table, ctable, idx2d)


def kernel(xyz):
    x = xyz[:, :, 0]
    y = xyz[:, :, 1]
    z = xyz[:, :, 2]
    fps_idx = _run_fps(x, y, z)
    xyz3 = xyz[:, :, :3]
    center = jnp.take_along_axis(xyz3, fps_idx[:, :, None], axis=1)
    d = (jnp.sum(center ** 2, axis=-1, keepdims=True)
         + jnp.sum(xyz3 ** 2, axis=-1)[:, None, :]
         - 2.0 * jnp.einsum('bgd,bnd->bgn', center, xyz3))
    idx = _run_knn(d)
    table = jnp.pad(xyz.reshape(B * N, 6), ((0, 0), (0, DPAD - 6)))
    ctable = jnp.pad(center.reshape(B * G, 3), ((0, 0), (0, DPAD - 3)))
    out = _run_gather(table, ctable, idx.reshape(_ROWS // _ICH, _ICH))
    out = out.reshape(B, G, K, DPAD)
    return out[..., :3], out[..., 3:6], center

# --- scband reference (transcript-rebuilt; emitter-appended) ---
"""Pipeline reference for scband-group-77412490543802 (READ-ONLY COPY).

The authoritative reference and input builder live on the scoring server;
editing this copy changes nothing except your own understanding.
"""

import jax, jax.numpy as jnp
import numpy as np

NUM_GROUP = 256
GROUP_SIZE = 32


def fps(xyz, num_group):
    B, N, _ = xyz.shape
    dists0 = jnp.full((B, N), 1e10, dtype=xyz.dtype)
    far0 = jnp.zeros((B,), dtype=jnp.int32)

    def step(carry, _):
        dists, far = carry
        centroid = jnp.take_along_axis(xyz, far[:, None, None], axis=1)
        d = jnp.sum((xyz - centroid) ** 2, axis=-1)
        dists = jnp.minimum(dists, d)
        new_far = jnp.argmax(dists, axis=-1).astype(jnp.int32)
        return (dists, new_far), far

    (_, _), idx_seq = jax.lax.scan(step, (dists0, far0), None, length=num_group)
    idxs = jnp.transpose(idx_seq)  # [B, G]
    center = jnp.take_along_axis(xyz, idxs[:, :, None], axis=1)  # [B, G, 3]
    return idxs, center


def knn(xyz, center, k):
    # squared euclidean distances between centers [B,G,3] and points [B,N,3]
    d = (jnp.sum(center ** 2, axis=-1, keepdims=True)
         + jnp.sum(xyz ** 2, axis=-1)[:, None, :]
         - 2.0 * jnp.einsum('bgd,bnd->bgn', center, xyz))
    neg, idx = jax.lax.top_k(-d, k)
    return -neg, idx


def setup_inputs(seed: int = 0) -> dict:
    key = jax.random.key(seed)
    xyz = jax.random.uniform(key, (16, 8192, 6), dtype=jnp.float32)
    return {"xyz": xyz}


def reference(xyz):
    B, N, _ = xyz.shape
    xyz_no_normal = xyz[:, :, :3]
    xyz_only_normal = xyz[:, :, 3:6]
    _, center = fps(xyz_no_normal, NUM_GROUP)
    _, idx = knn(xyz_no_normal, center, GROUP_SIZE)
    idx_base = jnp.arange(B, dtype=idx.dtype)[:, None, None] * N
    flat = (idx + idx_base).reshape(-1)
    neighborhood_no_normal = xyz_no_normal.reshape(B * N, 3)[flat, :]
    neighborhood_no_normal = neighborhood_no_normal.reshape(B, NUM_GROUP, GROUP_SIZE, 3)
    neighborhood_no_normal = neighborhood_no_normal - center[:, :, None, :]
    neighborhood_only_normal = xyz_only_normal.reshape(B * N, 3)[flat, :]
    neighborhood_only_normal = neighborhood_only_normal.reshape(B, NUM_GROUP, GROUP_SIZE, 3)
    return (neighborhood_no_normal, neighborhood_only_normal, center)

if __name__ == "__main__":
    import jax
    _d = setup_inputs()
    print(jax.jit(kernel)(*tuple(_d.values())))

</pallas_src>

<mosaic_0001>
#map = affine_map<(d0, d1) -> (0, 0)>
module attributes {stable_mosaic.version = 14 : i64} {
  func.func @_gather_body(%arg0: i32, %arg1: i32, %arg2: memref<131072x16xf32, #tpu.memory_space<hbm>>, %arg3: memref<4096x16xf32, #tpu.memory_space<hbm>>, %arg4: memref<1024x128xi32, #tpu.memory_space<hbm>>, %arg5: memref<131072x16xf32, #tpu.memory_space<hbm>>, %arg6: memref<32x128xi32, #tpu.memory_space<vmem>>, %arg7: memref<4096x16xf32, #tpu.memory_space<vmem>>, %arg8: memref<128x16xf32, #tpu.memory_space<vmem>>, %arg9: memref<!tpu.dma_semaphore, #tpu.memory_space<semaphore_mem>>) attributes {dimension_semantics = [#tpu.dimension_semantics<core_parallel>, #tpu.dimension_semantics<subcore_parallel>], iteration_bounds = array<i64: 2, 16>, scalar_prefetch = 0 : i64, scratch_operands = 4 : i64, tpu.core_type = #tpu.core_type<sc_vector_subcore>, window_params = [{transform_indices = #map}, {transform_indices = #map}, {transform_indices = #map}, {transform_indices = #map}]} {
    %mul3A = arith.constant 2 : i32
    %mul3A_0 = arith.muli %arg1, %mul3A : i32
    %add3A = arith.addi %mul3A_0, %arg0 : i32
    %mul3A_1 = arith.constant 4096 : i32
    %mul3A_2 = arith.muli %add3A, %mul3A_1 : i32
    %mul3A_3 = arith.constant 32 : i32
    %mul3A_4 = arith.muli %add3A, %mul3A_3 : i32
    "tpu.region"() ({
      %run_scoped3A = tpu.sem_alloc : memref<!tpu.dma_semaphore, #tpu.memory_space<semaphore_mem>>
      %dma_start3A_651 = arith.constant 0 : i32
      %dma_start3A_652 = tpu.memref_slice %arg4[%mul3A_4, %dma_start3A_651] : memref<1024x128xi32, #tpu.memory_space<hbm>> -> memref<32x128xi32, #tpu.memory_space<hbm>>
      %dma_start3A_653 = arith.constant 0 : i32
      %dma_start3A_654 = tpu.memref_slice %arg4[%mul3A_4, %dma_start3A_653] : memref<1024x128xi32, #tpu.memory_space<hbm>> -> memref<32x128xi32, #tpu.memory_space<hbm>>
      tpu.enqueue_dma source(%dma_start3A_654 : memref<32x128xi32, #tpu.memory_space<hbm>>) target(%arg6 : memref<32x128xi32, #tpu.memory_space<vmem>>) target_semaphore(%run_scoped3A : memref<!tpu.dma_semaphore, #tpu.memory_space<semaphore_mem>>)
      %dma_wait3A_655 = arith.constant 0 : i32
      %dma_wait3A_656 = tpu.memref_slice %arg4[%mul3A_4, %dma_wait3A_655] : memref<1024x128xi32, #tpu.memory_space<hbm>> -> memref<32x128xi32, #tpu.memory_space<hbm>>
      %dma_wait3A_657 = arith.constant 0 : i32
      %dma_wait3A_658 = tpu.memref_slice %arg4[%mul3A_4, %dma_wait3A_657] : memref<1024x128xi32, #tpu.memory_space<hbm>> -> memref<32x128xi32, #tpu.memory_space<hbm>>
      tpu.wait_dma2 semaphore(%run_scoped3A : memref<!tpu.dma_semaphore, #tpu.memory_space<semaphore_mem>>) src(%dma_wait3A_658 : memref<32x128xi32, #tpu.memory_space<hbm>>) dst(%arg6 : memref<32x128xi32, #tpu.memory_space<vmem>>)
      tpu.yield
    }) : () -> ()
    %dma_start3A = arith.constant 0 : i32
    %dma_start3A_5 = arith.constant 0 : i32
    %dma_start3A_6 = arith.constant 0 : i32
    %dma_start3A_7 = tpu.memref_slice %arg7[%dma_start3A_5, %dma_start3A_6] : memref<4096x16xf32, #tpu.memory_space<vmem>> -> memref<128x16xf32, #tpu.memory_space<vmem>>
    %dma_start3A_8 = arith.constant 0 : i32
    %dma_start3A_9 = tpu.memref_slice %arg6[%dma_start3A, %dma_start3A_8] : memref<32x128xi32, #tpu.memory_space<vmem>> -> memref<1x128xi32, #tpu.memory_space<vmem>>
    %dma_start3A_10 = tpu.memref_squeeze %dma_start3A_9 : memref<1x128xi32, #tpu.memory_space<vmem>> -> memref<128xi32, #tpu.memory_space<vmem>>
    %dma_start3A_11 = arith.constant 0 : i32
    %dma_start3A_12 = arith.constant 0 : i32
    %dma_start3A_13 = tpu.memref_slice %arg2[%dma_start3A_11, %dma_start3A_12] : memref<131072x16xf32, #tpu.memory_space<hbm>> -> memref<131072x16xf32, #tpu.memory_space<hbm>>
    tpu.enqueue_indirect_dma source(%dma_start3A_13 : memref<131072x16xf32, #tpu.memory_space<hbm>>) target(%dma_start3A_7 : memref<128x16xf32, #tpu.memory_space<vmem>>) offsets(%dma_start3A_10 : memref<128xi32, #tpu.memory_space<vmem>>) semaphore(%arg9 : memref<!tpu.dma_semaphore, #tpu.memory_space<semaphore_mem>>)
    %dma_start3A_14 = arith.constant 1 : i32
    %dma_start3A_15 = arith.constant 128 : i32
    %dma_start3A_16 = arith.constant 0 : i32
    %dma_start3A_17 = tpu.memref_slice %arg7[%dma_start3A_15, %dma_start3A_16] : memref<4096x16xf32, #tpu.memory_space<vmem>> -> memref<128x16xf32, #tpu.memory_space<vmem>>
    %dma_start3A_18 = arith.constant 0 : i32
    %dma_start3A_19 = tpu.memref_slice %arg6[%dma_start3A_14, %dma_start3A_18] : memref<32x128xi32, #tpu.memory_space<vmem>> -> memref<1x128xi32, #tpu.memory_space<vmem>>
    %dma_start3A_20 = tpu.memref_squeeze %dma_start3A_19 : memref<1x128xi32, #tpu.memory_space<vmem>> -> memref<128xi32, #tpu.memory_space<vmem>>
    %dma_start3A_21 = arith.constant 0 : i32
    %dma_start3A_22 = arith.constant 0 : i32
    %dma_start3A_23 = tpu.memref_slice %arg2[%dma_start3A_21, %dma_start3A_22] : memref<131072x16xf32, #tpu.memory_space<hbm>> -> memref<131072x16xf32, #tpu.memory_space<hbm>>
    tpu.enqueue_indirect_dma source(%dma_start3A_23 : memref<131072x16xf32, #tpu.memory_space<hbm>>) target(%dma_start3A_17 : memref<128x16xf32, #tpu.memory_space<vmem>>) offsets(%dma_start3A_20 : memref<128xi32, #tpu.memory_space<vmem>>) semaphore(%arg9 : memref<!tpu.dma_semaphore, #tpu.memory_space<semaphore_mem>>)
    %dma_start3A_24 = arith.constant 2 : i32
    %dma_start3A_25 = arith.constant 256 : i32
    %dma_start3A_26 = arith.constant 0 : i32
    %dma_start3A_27 = tpu.memref_slice %arg7[%dma_start3A_25, %dma_start3A_26] : memref<4096x16xf32, #tpu.memory_space<vmem>> -> memref<128x16xf32, #tpu.memory_space<vmem>>
    %dma_start3A_28 = arith.constant 0 : i32
    %dma_start3A_29 = tpu.memref_slice %arg6[%dma_start3A_24, %dma_start3A_28] : memref<32x128xi32, #tpu.memory_space<vmem>> -> memref<1x128xi32, #tpu.memory_space<vmem>>
    %dma_start3A_30 = tpu.memref_squeeze %dma_start3A_29 : memref<1x128xi32, #tpu.memory_space<vmem>> -> memref<128xi32, #tpu.memory_space<vmem>>
    %dma_start3A_31 = arith.constant 0 : i32
    %dma_start3A_32 = arith.constant 0 : i32
    %dma_start3A_33 = tpu.memref_slice %arg2[%dma_start3A_31, %dma_start3A_32] : memref<131072x16xf32, #tpu.memory_space<hbm>> -> memref<131072x16xf32, #tpu.memory_space<hbm>>
    tpu.enqueue_indirect_dma source(%dma_start3A_33 : memref<131072x16xf32, #tpu.memory_space<hbm>>) target(%dma_start3A_27 : memref<128x16xf32, #tpu.memory_space<vmem>>) offsets(%dma_start3A_30 : memref<128xi32, #tpu.memory_space<vmem>>) semaphore(%arg9 : memref<!tpu.dma_semaphore, #tpu.memory_space<semaphore_mem>>)
    %dma_start3A_34 = arith.constant 3 : i32
    %dma_start3A_35 = arith.constant 384 : i32
    %dma_start3A_36 = arith.constant 0 : i32
    %dma_start3A_37 = tpu.memref_slice %arg7[%dma_start3A_35, %dma_start3A_36] : memref<4096x16xf32, #tpu.memory_space<vmem>> -> memref<128x16xf32, #tpu.memory_space<vmem>>
    %dma_start3A_38 = arith.constant 0 : i32
    %dma_start3A_39 = tpu.memref_slice %arg6[%dma_start3A_34, %dma_start3A_38] : memref<32x128xi32, #tpu.memory_space<vmem>> -> memref<1x128xi32, #tpu.memory_space<vmem>>
    %dma_start3A_40 = tpu.memref_squeeze %dma_start3A_39 : memref<1x128xi32, #tpu.memory_space<vmem>> -> memref<128xi32, #tpu.memory_space<vmem>>
    %dma_start3A_41 = arith.constant 0 : i32
    %dma_start3A_42 = arith.constant 0 : i32
    %dma_start3A_43 = tpu.memref_slice %arg2[%dma_start3A_41, %dma_start3A_42] : memref<131072x16xf32, #tpu.memory_space<hbm>> -> memref<131072x16xf32, #tpu.memory_space<hbm>>
    tpu.enqueue_indirect_dma source(%dma_start3A_43 : memref<131072x16xf32, #tpu.memory_space<hbm>>) target(%dma_start3A_37 : memref<128x16xf32, #tpu.memory_space<vmem>>) offsets(%dma_start3A_40 : memref<128xi32, #tpu.memory_space<vmem>>) semaphore(%arg9 : memref<!tpu.dma_semaphore, #tpu.memory_space<semaphore_mem>>)
    %dma_start3A_44 = arith.constant 4 : i32
    %dma_start3A_45 = arith.constant 512 : i32
    %dma_start3A_46 = arith.constant 0 : i32
    %dma_start3A_47 = tpu.memref_slice %arg7[%dma_start3A_45, %dma_start3A_46] : memref<4096x16xf32, #tpu.memory_space<vmem>> -> memref<128x16xf32, #tpu.memory_space<vmem>>
    %dma_start3A_48 = arith.constant 0 : i32
    %dma_start3A_49 = tpu.memref_slice %arg6[%dma_start3A_44, %dma_start3A_48] : memref<32x128xi32, #tpu.memory_space<vmem>> -> memref<1x128xi32, #tpu.memory_space<vmem>>
    %dma_start3A_50 = tpu.memref_squeeze %dma_start3A_49 : memref<1x128xi32, #tpu.memory_space<vmem>> -> memref<128xi32, #tpu.memory_space<vmem>>
    %dma_start3A_51 = arith.constant 0 : i32
    %dma_start3A_52 = arith.constant 0 : i32
    %dma_start3A_53 = tpu.memref_slice %arg2[%dma_start3A_51, %dma_start3A_52] : memref<131072x16xf32, #tpu.memory_space<hbm>> -> memref<131072x16xf32, #tpu.memory_space<hbm>>
    tpu.enqueue_indirect_dma source(%dma_start3A_53 : memref<131072x16xf32, #tpu.memory_space<hbm>>) target(%dma_start3A_47 : memref<128x16xf32, #tpu.memory_space<vmem>>) offsets(%dma_start3A_50 : memref<128xi32, #tpu.memory_space<vmem>>) semaphore(%arg9 : memref<!tpu.dma_semaphore, #tpu.memory_space<semaphore_mem>>)
    %dma_start3A_54 = arith.constant 5 : i32
    %dma_start3A_55 = arith.constant 640 : i32
    %dma_start3A_56 = arith.constant 0 : i32
    %dma_start3A_57 = tpu.memref_slice %arg7[%dma_start3A_55, %dma_start3A_56] : memref<4096x16xf32, #tpu.memory_space<vmem>> -> memref<128x16xf32, #tpu.memory_space<vmem>>
    %dma_start3A_58 = arith.constant 0 : i32
    %dma_start3A_59 = tpu.memref_slice %arg6[%dma_start3A_54, %dma_start3A_58] : memref<32x128xi32, #tpu.memory_space<vmem>> -> memref<1x128xi32, #tpu.memory_space<vmem>>
    %dma_start3A_60 = tpu.memref_squeeze %dma_start3A_59 : memref<1x128xi32, #tpu.memory_space<vmem>> -> memref<128xi32, #tpu.memory_space<vmem>>
    %dma_start3A_61 = arith.constant 0 : i32
    %dma_start3A_62 = arith.constant 0 : i32
    %dma_start3A_63 = tpu.memref_slice %arg2[%dma_start3A_61, %dma_start3A_62] : memref<131072x16xf32, #tpu.memory_space<hbm>> -> memref<131072x16xf32, #tpu.memory_space<hbm>>
    tpu.enqueue_indirect_dma source(%dma_start3A_63 : memref<131072x16xf32, #tpu.memory_space<hbm>>) target(%dma_start3A_57 : memref<128x16xf32, #tpu.memory_space<vmem>>) offsets(%dma_start3A_60 : memref<128xi32, #tpu.memory_space<vmem>>) semaphore(%arg9 : memref<!tpu.dma_semaphore, #tpu.memory_space<semaphore_mem>>)
    %dma_start3A_64 = arith.constant 6 : i32
    %dma_start3A_65 = arith.constant 768 : i32
    %dma_start3A_66 = arith.constant 0 : i32
    %dma_start3A_67 = tpu.memref_slice %arg7[%dma_start3A_65, %dma_start3A_66] : memref<4096x16xf32, #tpu.memory_space<vmem>> -> memref<128x16xf32, #tpu.memory_space<vmem>>
    %dma_start3A_68 = arith.constant 0 : i32
    %dma_start3A_69 = tpu.memref_slice %arg6[%dma_start3A_64, %dma_start3A_68] : memref<32x128xi32, #tpu.memory_space<vmem>> -> memref<1x128xi32, #tpu.memory_space<vmem>>
    %dma_start3A_70 = tpu.memref_squeeze %dma_start3A_69 : memref<1x128xi32, #tpu.memory_space<vmem>> -> memref<128xi32, #tpu.memory_space<vmem>>
    %dma_start3A_71 = arith.constant 0 : i32
    %dma_start3A_72 = arith.constant 0 : i32
    %dma_start3A_73 = tpu.memref_slice %arg2[%dma_start3A_71, %dma_start3A_72] : memref<131072x16xf32, #tpu.memory_space<hbm>> -> memref<131072x16xf32, #tpu.memory_space<hbm>>
    tpu.enqueue_indirect_dma source(%dma_start3A_73 : memref<131072x16xf32, #tpu.memory_space<hbm>>) target(%dma_start3A_67 : memref<128x16xf32, #tpu.memory_space<vmem>>) offsets(%dma_start3A_70 : memref<128xi32, #tpu.memory_space<vmem>>) semaphore(%arg9 : memref<!tpu.dma_semaphore, #tpu.memory_space<semaphore_mem>>)
    %dma_start3A_74 = arith.constant 7 : i32
    %dma_start3A_75 = arith.constant 896 : i32
    %dma_start3A_76 = arith.constant 0 : i32
    %dma_start3A_77 = tpu.memref_slice %arg7[%dma_start3A_75, %dma_start3A_76] : memref<4096x16xf32, #tpu.memory_space<vmem>> -> memref<128x16xf32, #tpu.memory_space<vmem>>
    %dma_start3A_78 = arith.constant 0 : i32
    %dma_start3A_79 = tpu.memref_slice %arg6[%dma_start3A_74, %dma_start3A_78] : memref<32x128xi32, #tpu.memory_space<vmem>> -> memref<1x128xi32, #tpu.memory_space<vmem>>
    %dma_start3A_80 = tpu.memref_squeeze %dma_start3A_79 : memref<1x128xi32, #tpu.memory_space<vmem>> -> memref<128xi32, #tpu.memory_space<vmem>>
    %dma_start3A_81 = arith.constant 0 : i32
    %dma_start3A_82 = arith.constant 0 : i32
    %dma_start3A_83 = tpu.memref_slice %arg2[%dma_start3A_81, %dma_start3A_82] : memref<131072x16xf32, #tpu.memory_space<hbm>> -> memref<131072x16xf32, #tpu.memory_space<hbm>>
    tpu.enqueue_indirect_dma source(%dma_start3A_83 : memref<131072x16xf32, #tpu.memory_space<hbm>>) target(%dma_start3A_77 : memref<128x16xf32, #tpu.memory_space<vmem>>) offsets(%dma_start3A_80 : memref<128xi32, #tpu.memory_space<vmem>>) semaphore(%arg9 : memref<!tpu.dma_semaphore, #tpu.memory_space<semaphore_mem>>)
    %dma_start3A_84 = arith.constant 8 : i32
    %dma_start3A_85 = arith.constant 1024 : i32
    %dma_start3A_86 = arith.constant 0 : i32
    %dma_start3A_87 = tpu.memref_slice %arg7[%dma_start3A_85, %dma_start3A_86] : memref<4096x16xf32, #tpu.memory_space<vmem>> -> memref<128x16xf32, #tpu.memory_space<vmem>>
    %dma_start3A_88 = arith.constant 0 : i32
    %dma_start3A_89 = tpu.memref_slice %arg6[%dma_start3A_84, %dma_start3A_88] : memref<32x128xi32, #tpu.memory_space<vmem>> -> memref<1x128xi32, #tpu.memory_space<vmem>>
    %dma_start3A_90 = tpu.memref_squeeze %dma_start3A_89 : memref<1x128xi32, #tpu.memory_space<vmem>> -> memref<128xi32, #tpu.memory_space<vmem>>
    %dma_start3A_91 = arith.constant 0 : i32
    %dma_start3A_92 = arith.constant 0 : i32
    %dma_start3A_93 = tpu.memref_slice %arg2[%dma_start3A_91, %dma_start3A_92] : memref<131072x16xf32, #tpu.memory_space<hbm>> -> memref<131072x16xf32, #tpu.memory_space<hbm>>
    tpu.enqueue_indirect_dma source(%dma_start3A_93 : memref<131072x16xf32, #tpu.memory_space<hbm>>) target(%dma_start3A_87 : memref<128x16xf32, #tpu.memory_space<vmem>>) offsets(%dma_start3A_90 : memref<128xi32, #tpu.memory_space<vmem>>) semaphore(%arg9 : memref<!tpu.dma_semaphore, #tpu.memory_space<semaphore_mem>>)
    %dma_start3A_94 = arith.constant 9 : i32
    %dma_start3A_95 = arith.constant 1152 : i32
    %dma_start3A_96 = arith.constant 0 : i32
    %dma_start3A_97 = tpu.memref_slice %arg7[%dma_start3A_95, %dma_start3A_96] : memref<4096x16xf32, #tpu.memory_space<vmem>> -> memref<128x16xf32, #tpu.memory_space<vmem>>
    %dma_start3A_98 = arith.constant 0 : i32
    %dma_start3A_99 = tpu.memref_slice %arg6[%dma_start3A_94, %dma_start3A_98] : memref<32x128xi32, #tpu.memory_space<vmem>> -> memref<1x128xi32, #tpu.memory_space<vmem>>
    %dma_start3A_100 = tpu.memref_squeeze %dma_start3A_99 : memref<1x128xi32, #tpu.memory_space<vmem>> -> memref<128xi32, #tpu.memory_space<vmem>>
    %dma_start3A_101 = arith.constant 0 : i32
    %dma_start3A_102 = arith.constant 0 : i32
    %dma_start3A_103 = tpu.memref_slice %arg2[%dma_start3A_101, %dma_start3A_102] : memref<131072x16xf32, #tpu.memory_space<hbm>> -> memref<131072x16xf32, #tpu.memory_space<hbm>>
    tpu.enqueue_indirect_dma source(%dma_start3A_103 : memref<131072x16xf32, #tpu.memory_space<hbm>>) target(%dma_start3A_97 : memref<128x16xf32, #tpu.memory_space<vmem>>) offsets(%dma_start3A_100 : memref<128xi32, #tpu.memory_space<vmem>>) semaphore(%arg9 : memref<!tpu.dma_semaphore, #tpu.memory_space<semaphore_mem>>)
    %dma_start3A_104 = arith.constant 10 : i32
    %dma_start3A_105 = arith.constant 1280 : i32
    %dma_start3A_106 = arith.constant 0 : i32
    %dma_start3A_107 = tpu.memref_slice %arg7[%dma_start3A_105, %dma_start3A_106] : memref<4096x16xf32, #tpu.memory_space<vmem>> -> memref<128x16xf32, #tpu.memory_space<vmem>>
    %dma_start3A_108 = arith.constant 0 : i32
    %dma_start3A_109 = tpu.memref_slice %arg6[%dma_start3A_104, %dma_start3A_108] : memref<32x128xi32, #tpu.memory_space<vmem>> -> memref<1x128xi32, #tpu.memory_space<vmem>>
    %dma_start3A_110 = tpu.memref_squeeze %dma_start3A_109 : memref<1x128xi32, #tpu.memory_space<vmem>> -> memref<128xi32, #tpu.memory_space<vmem>>
    %dma_start3A_111 = arith.constant 0 : i32
    %dma_start3A_112 = arith.constant 0 : i32
    %dma_start3A_113 = tpu.memref_slice %arg2[%dma_start3A_111, %dma_start3A_112] : memref<131072x16xf32, #tpu.memory_space<hbm>> -> memref<131072x16xf32, #tpu.memory_space<hbm>>
    tpu.enqueue_indirect_dma source(%dma_start3A_113 : memref<131072x16xf32, #tpu.memory_space<hbm>>) target(%dma_start3A_107 : memref<128x16xf32, #tpu.memory_space<vmem>>) offsets(%dma_start3A_110 : memref<128xi32, #tpu.memory_space<vmem>>) semaphore(%arg9 : memref<!tpu.dma_semaphore, #tpu.memory_space<semaphore_mem>>)
    %dma_start3A_114 = arith.constant 11 : i32
    %dma_start3A_115 = arith.constant 1408 : i32
    %dma_start3A_116 = arith.constant 0 : i32
    %dma_start3A_117 = tpu.memref_slice %arg7[%dma_start3A_115, %dma_start3A_116] : memref<4096x16xf32, #tpu.memory_space<vmem>> -> memref<128x16xf32, #tpu.memory_space<vmem>>
    %dma_start3A_118 = arith.constant 0 : i32
    %dma_start3A_119 = tpu.memref_slice %arg6[%dma_start3A_114, %dma_start3A_118] : memref<32x128xi32, #tpu.memory_space<vmem>> -> memref<1x128xi32, #tpu.memory_space<vmem>>
    %dma_start3A_120 = tpu.memref_squeeze %dma_start3A_119 : memref<1x128xi32, #tpu.memory_space<vmem>> -> memref<128xi32, #tpu.memory_space<vmem>>
    %dma_start3A_121 = arith.constant 0 : i32
    %dma_start3A_122 = arith.constant 0 : i32
    %dma_start3A_123 = tpu.memref_slice %arg2[%dma_start3A_121, %dma_start3A_122] : memref<131072x16xf32, #tpu.memory_space<hbm>> -> memref<131072x16xf32, #tpu.memory_space<hbm>>
    tpu.enqueue_indirect_dma source(%dma_start3A_123 : memref<131072x16xf32, #tpu.memory_space<hbm>>) target(%dma_start3A_117 : memref<128x16xf32, #tpu.memory_space<vmem>>) offsets(%dma_start3A_120 : memref<128xi32, #tpu.memory_space<vmem>>) semaphore(%arg9 : memref<!tpu.dma_semaphore, #tpu.memory_space<semaphore_mem>>)
    %dma_start3A_124 = arith.constant 12 : i32
    %dma_start3A_125 = arith.constant 1536 : i32
    %dma_start3A_126 = arith.constant 0 : i32
    %dma_start3A_127 = tpu.memref_slice %arg7[%dma_start3A_125, %dma_start3A_126] : memref<4096x16xf32, #tpu.memory_space<vmem>> -> memref<128x16xf32, #tpu.memory_space<vmem>>
    %dma_start3A_128 = arith.constant 0 : i32
    %dma_start3A_129 = tpu.memref_slice %arg6[%dma_start3A_124, %dma_start3A_128] : memref<32x128xi32, #tpu.memory_space<vmem>> -> memref<1x128xi32, #tpu.memory_space<vmem>>
    %dma_start3A_130 = tpu.memref_squeeze %dma_start3A_129 : memref<1x128xi32, #tpu.memory_space<vmem>> -> memref<128xi32, #tpu.memory_space<vmem>>
    %dma_start3A_131 = arith.constant 0 : i32
    %dma_start3A_132 = arith.constant 0 : i32
    %dma_start3A_133 = tpu.memref_slice %arg2[%dma_start3A_131, %dma_start3A_132] : memref<131072x16xf32, #tpu.memory_space<hbm>> -> memref<131072x16xf32, #tpu.memory_space<hbm>>
    tpu.enqueue_indirect_dma source(%dma_start3A_133 : memref<131072x16xf32, #tpu.memory_space<hbm>>) target(%dma_start3A_127 : memref<128x16xf32, #tpu.memory_space<vmem>>) offsets(%dma_start3A_130 : memref<128xi32, #tpu.memory_space<vmem>>) semaphore(%arg9 : memref<!tpu.dma_semaphore, #tpu.memory_space<semaphore_mem>>)
    %dma_start3A_134 = arith.constant 13 : i32
    %dma_start3A_135 = arith.constant 1664 : i32
    %dma_start3A_136 = arith.constant 0 : i32
    %dma_start3A_137 = tpu.memref_slice %arg7[%dma_start3A_135, %dma_start3A_136] : memref<4096x16xf32, #tpu.memory_space<vmem>> -> memref<128x16xf32, #tpu.memory_space<vmem>>
    %dma_start3A_138 = arith.constant 0 : i32
    %dma_start3A_139 = tpu.memref_slice %arg6[%dma_start3A_134, %dma_start3A_138] : memref<32x128xi32, #tpu.memory_space<vmem>> -> memref<1x128xi32, #tpu.memory_space<vmem>>
    %dma_start3A_140 = tpu.memref_squeeze %dma_start3A_139 : memref<1x128xi32, #tpu.memory_space<vmem>> -> memref<128xi32, #tpu.memory_space<vmem>>
    %dma_start3A_141 = arith.constant 0 : i32
    %dma_start3A_142 = arith.constant 0 : i32
    %dma_start3A_143 = tpu.memref_slice %arg2[%dma_start3A_141, %dma_start3A_142] : memref<131072x16xf32, #tpu.memory_space<hbm>> -> memref<131072x16xf32, #tpu.memory_space<hbm>>
    tpu.enqueue_indirect_dma source(%dma_start3A_143 : memref<131072x16xf32, #tpu.memory_space<hbm>>) target(%dma_start3A_137 : memref<128x16xf32, #tpu.memory_space<vmem>>) offsets(%dma_start3A_140 : memref<128xi32, #tpu.memory_space<vmem>>) semaphore(%arg9 : memref<!tpu.dma_semaphore, #tpu.memory_space<semaphore_mem>>)
    %dma_start3A_144 = arith.constant 14 : i32
    %dma_start3A_145 = arith.constant 1792 : i32
    %dma_start3A_146 = arith.constant 0 : i32
    %dma_start3A_147 = tpu.memref_slice %arg7[%dma_start3A_145, %dma_start3A_146] : memref<4096x16xf32, #tpu.memory_space<vmem>> -> memref<128x16xf32, #tpu.memory_space<vmem>>
    %dma_start3A_148 = arith.constant 0 : i32
    %dma_start3A_149 = tpu.memref_slice %arg6[%dma_start3A_144, %dma_start3A_148] : memref<32x128xi32, #tpu.memory_space<vmem>> -> memref<1x128xi32, #tpu.memory_space<vmem>>
    %dma_start3A_150 = tpu.memref_squeeze %dma_start3A_149 : memref<1x128xi32, #tpu.memory_space<vmem>> -> memref<128xi32, #tpu.memory_space<vmem>>
    %dma_start3A_151 = arith.constant 0 : i32
    %dma_start3A_152 = arith.constant 0 : i32
    %dma_start3A_153 = tpu.memref_slice %arg2[%dma_start3A_151, %dma_start3A_152] : memref<131072x16xf32, #tpu.memory_space<hbm>> -> memref<131072x16xf32, #tpu.memory_space<hbm>>
    tpu.enqueue_indirect_dma source(%dma_start3A_153 : memref<131072x16xf32, #tpu.memory_space<hbm>>) target(%dma_start3A_147 : memref<128x16xf32, #tpu.memory_space<vmem>>) offsets(%dma_start3A_150 : memref<128xi32, #tpu.memory_space<vmem>>) semaphore(%arg9 : memref<!tpu.dma_semaphore, #tpu.memory_space<semaphore_mem>>)
    %dma_start3A_154 = arith.constant 15 : i32
    %dma_start3A_155 = arith.constant 1920 : i32
    %dma_start3A_156 = arith.constant 0 : i32
    %dma_start3A_157 = tpu.memref_slice %arg7[%dma_start3A_155, %dma_start3A_156] : memref<4096x16xf32, #tpu.memory_space<vmem>> -> memref<128x16xf32, #tpu.memory_space<vmem>>
    %dma_start3A_158 = arith.constant 0 : i32
    %dma_start3A_159 = tpu.memref_slice %arg6[%dma_start3A_154, %dma_start3A_158] : memref<32x128xi32, #tpu.memory_space<vmem>> -> memref<1x128xi32, #tpu.memory_space<vmem>>
    %dma_start3A_160 = tpu.memref_squeeze %dma_start3A_159 : memref<1x128xi32, #tpu.memory_space<vmem>> -> memref<128xi32, #tpu.memory_space<vmem>>
    %dma_start3A_161 = arith.constant 0 : i32
    %dma_start3A_162 = arith.constant 0 : i32
    %dma_start3A_163 = tpu.memref_slice %arg2[%dma_start3A_161, %dma_start3A_162] : memref<131072x16xf32, #tpu.memory_space<hbm>> -> memref<131072x16xf32, #tpu.memory_space<hbm>>
    tpu.enqueue_indirect_dma source(%dma_start3A_163 : memref<131072x16xf32, #tpu.memory_space<hbm>>) target(%dma_start3A_157 : memref<128x16xf32, #tpu.memory_space<vmem>>) offsets(%dma_start3A_160 : memref<128xi32, #tpu.memory_space<vmem>>) semaphore(%arg9 : memref<!tpu.dma_semaphore, #tpu.memory_space<semaphore_mem>>)
    %dma_start3A_164 = arith.constant 16 : i32
    %dma_start3A_165 = arith.constant 2048 : i32
    %dma_start3A_166 = arith.constant 0 : i32
    %dma_start3A_167 = tpu.memref_slice %arg7[%dma_start3A_165, %dma_start3A_166] : memref<4096x16xf32, #tpu.memory_space<vmem>> -> memref<128x16xf32, #tpu.memory_space<vmem>>
    %dma_start3A_168 = arith.constant 0 : i32
    %dma_start3A_169 = tpu.memref_slice %arg6[%dma_start3A_164, %dma_start3A_168] : memref<32x128xi32, #tpu.memory_space<vmem>> -> memref<1x128xi32, #tpu.memory_space<vmem>>
    %dma_start3A_170 = tpu.memref_squeeze %dma_start3A_169 : memref<1x128xi32, #tpu.memory_space<vmem>> -> memref<128xi32, #tpu.memory_space<vmem>>
    %dma_start3A_171 = arith.constant 0 : i32
    %dma_start3A_172 = arith.constant 0 : i32
    %dma_start3A_173 = tpu.memref_slice %arg2[%dma_start3A_171, %dma_start3A_172] : memref<131072x16xf32, #tpu.memory_space<hbm>> -> memref<131072x16xf32, #tpu.memory_space<hbm>>
    tpu.enqueue_indirect_dma source(%dma_start3A_173 : memref<131072x16xf32, #tpu.memory_space<hbm>>) target(%dma_start3A_167 : memref<128x16xf32, #tpu.memory_space<vmem>>) offsets(%dma_start3A_170 : memref<128xi32, #tpu.memory_space<vmem>>) semaphore(%arg9 : memref<!tpu.dma_semaphore, #tpu.memory_space<semaphore_mem>>)
    %dma_start3A_174 = arith.constant 17 : i32
    %dma_start3A_175 = arith.constant 2176 : i32
    %dma_start3A_176 = arith.constant 0 : i32
    %dma_start3A_177 = tpu.memref_slice %arg7[%dma_start3A_175, %dma_start3A_176] : memref<4096x16xf32, #tpu.memory_space<vmem>> -> memref<128x16xf32, #tpu.memory_space<vmem>>
    %dma_start3A_178 = arith.constant 0 : i32
    %dma_start3A_179 = tpu.memref_slice %arg6[%dma_start3A_174, %dma_start3A_178] : memref<32x128xi32, #tpu.memory_space<vmem>> -> memref<1x128xi32, #tpu.memory_space<vmem>>
    %dma_start3A_180 = tpu.memref_squeeze %dma_start3A_179 : memref<1x128xi32, #tpu.memory_space<vmem>> -> memref<128xi32, #tpu.memory_space<vmem>>
    %dma_start3A_181 = arith.constant 0 : i32
    %dma_start3A_182 = arith.constant 0 : i32
    %dma_start3A_183 = tpu.memref_slice %arg2[%dma_start3A_181, %dma_start3A_182] : memref<131072x16xf32, #tpu.memory_space<hbm>> -> memref<131072x16xf32, #tpu.memory_space<hbm>>
    tpu.enqueue_indirect_dma source(%dma_start3A_183 : memref<131072x16xf32, #tpu.memory_space<hbm>>) target(%dma_start3A_177 : memref<128x16xf32, #tpu.memory_space<vmem>>) offsets(%dma_start3A_180 : memref<128xi32, #tpu.memory_space<vmem>>) semaphore(%arg9 : memref<!tpu.dma_semaphore, #tpu.memory_space<semaphore_mem>>)
    %dma_start3A_184 = arith.constant 18 : i32
    %dma_start3A_185 = arith.constant 2304 : i32
    %dma_start3A_186 = arith.constant 0 : i32
    %dma_start3A_187 = tpu.memref_slice %arg7[%dma_start3A_185, %dma_start3A_186] : memref<4096x16xf32, #tpu.memory_space<vmem>> -> memref<128x16xf32, #tpu.memory_space<vmem>>
    %dma_start3A_188 = arith.constant 0 : i32
    %dma_start3A_189 = tpu.memref_slice %arg6[%dma_start3A_184, %dma_start3A_188] : memref<32x128xi32, #tpu.memory_space<vmem>> -> memref<1x128xi32, #tpu.memory_space<vmem>>
    %dma_start3A_190 = tpu.memref_squeeze %dma_start3A_189 : memref<1x128xi32, #tpu.memory_space<vmem>> -> memref<128xi32, #tpu.memory_space<vmem>>
    %dma_start3A_191 = arith.constant 0 : i32
    %dma_start3A_192 = arith.constant 0 : i32
    %dma_start3A_193 = tpu.memref_slice %arg2[%dma_start3A_191, %dma_start3A_192] : memref<131072x16xf32, #tpu.memory_space<hbm>> -> memref<131072x16xf32, #tpu.memory_space<hbm>>
    tpu.enqueue_indirect_dma source(%dma_start3A_193 : memref<131072x16xf32, #tpu.memory_space<hbm>>) target(%dma_start3A_187 : memref<128x16xf32, #tpu.memory_space<vmem>>) offsets(%dma_start3A_190 : memref<128xi32, #tpu.memory_space<vmem>>) semaphore(%arg9 : memref<!tpu.dma_semaphore, #tpu.memory_space<semaphore_mem>>)
    %dma_start3A_194 = arith.constant 19 : i32
    %dma_start3A_195 = arith.constant 2432 : i32
    %dma_start3A_196 = arith.constant 0 : i32
    %dma_start3A_197 = tpu.memref_slice %arg7[%dma_start3A_195, %dma_start3A_196] : memref<4096x16xf32, #tpu.memory_space<vmem>> -> memref<128x16xf32, #tpu.memory_space<vmem>>
    %dma_start3A_198 = arith.constant 0 : i32
    %dma_start3A_199 = tpu.memref_slice %arg6[%dma_start3A_194, %dma_start3A_198] : memref<32x128xi32, #tpu.memory_space<vmem>> -> memref<1x128xi32, #tpu.memory_space<vmem>>
    %dma_start3A_200 = tpu.memref_squeeze %dma_start3A_199 : memref<1x128xi32, #tpu.memory_space<vmem>> -> memref<128xi32, #tpu.memory_space<vmem>>
    %dma_start3A_201 = arith.constant 0 : i32
    %dma_start3A_202 = arith.constant 0 : i32
    %dma_start3A_203 = tpu.memref_slice %arg2[%dma_start3A_201, %dma_start3A_202] : memref<131072x16xf32, #tpu.memory_space<hbm>> -> memref<131072x16xf32, #tpu.memory_space<hbm>>
    tpu.enqueue_indirect_dma source(%dma_start3A_203 : memref<131072x16xf32, #tpu.memory_space<hbm>>) target(%dma_start3A_197 : memref<128x16xf32, #tpu.memory_space<vmem>>) offsets(%dma_start3A_200 : memref<128xi32, #tpu.memory_space<vmem>>) semaphore(%arg9 : memref<!tpu.dma_semaphore, #tpu.memory_space<semaphore_mem>>)
    %dma_start3A_204 = arith.constant 20 : i32
    %dma_start3A_205 = arith.constant 2560 : i32
    %dma_start3A_206 = arith.constant 0 : i32
    %dma_start3A_207 = tpu.memref_slice %arg7[%dma_start3A_205, %dma_start3A_206] : memref<4096x16xf32, #tpu.memory_space<vmem>> -> memref<128x16xf32, #tpu.memory_space<vmem>>
    %dma_start3A_208 = arith.constant 0 : i32
    %dma_start3A_209 = tpu.memref_slice %arg6[%dma_start3A_204, %dma_start3A_208] : memref<32x128xi32, #tpu.memory_space<vmem>> -> memref<1x128xi32, #tpu.memory_space<vmem>>
    %dma_start3A_210 = tpu.memref_squeeze %dma_start3A_209 : memref<1x128xi32, #tpu.memory_space<vmem>> -> memref<128xi32, #tpu.memory_space<vmem>>
    %dma_start3A_211 = arith.constant 0 : i32
    %dma_start3A_212 = arith.constant 0 : i32
    %dma_start3A_213 = tpu.memref_slice %arg2[%dma_start3A_211, %dma_start3A_212] : memref<131072x16xf32, #tpu.memory_space<hbm>> -> memref<131072x16xf32, #tpu.memory_space<hbm>>
    tpu.enqueue_indirect_dma source(%dma_start3A_213 : memref<131072x16xf32, #tpu.memory_space<hbm>>) target(%dma_start3A_207 : memref<128x16xf32, #tpu.memory_space<vmem>>) offsets(%dma_start3A_210 : memref<128xi32, #tpu.memory_space<vmem>>) semaphore(%arg9 : memref<!tpu.dma_semaphore, #tpu.memory_space<semaphore_mem>>)
    %dma_start3A_214 = arith.constant 21 : i32
    %dma_start3A_215 = arith.constant 2688 : i32
    %dma_start3A_216 = arith.constant 0 : i32
    %dma_start3A_217 = tpu.memref_slice %arg7[%dma_start3A_215, %dma_start3A_216] : memref<4096x16xf32, #tpu.memory_space<vmem>> -> memref<128x16xf32, #tpu.memory_space<vmem>>
    %dma_start3A_218 = arith.constant 0 : i32
    %dma_start3A_219 = tpu.memref_slice %arg6[%dma_start3A_214, %dma_start3A_218] : memref<32x128xi32, #tpu.memory_space<vmem>> -> memref<1x128xi32, #tpu.memory_space<vmem>>
    %dma_start3A_220 = tpu.memref_squeeze %dma_start3A_219 : memref<1x128xi32, #tpu.memory_space<vmem>> -> memref<128xi32, #tpu.memory_space<vmem>>
    %dma_start3A_221 = arith.constant 0 : i32
    %dma_start3A_222 = arith.constant 0 : i32
    %dma_start3A_223 = tpu.memref_slice %arg2[%dma_start3A_221, %dma_start3A_222] : memref<131072x16xf32, #tpu.memory_space<hbm>> -> memref<131072x16xf32, #tpu.memory_space<hbm>>
    tpu.enqueue_indirect_dma source(%dma_start3A_223 : memref<131072x16xf32, #tpu.memory_space<hbm>>) target(%dma_start3A_217 : memref<128x16xf32, #tpu.memory_space<vmem>>) offsets(%dma_start3A_220 : memref<128xi32, #tpu.memory_space<vmem>>) semaphore(%arg9 : memref<!tpu.dma_semaphore, #tpu.memory_space<semaphore_mem>>)
    %dma_start3A_224 = arith.constant 22 : i32
    %dma_start3A_225 = arith.constant 2816 : i32
    %dma_start3A_226 = arith.constant 0 : i32
    %dma_start3A_227 = tpu.memref_slice %arg7[%dma_start3A_225, %dma_start3A_226] : memref<4096x16xf32, #tpu.memory_space<vmem>> -> memref<128x16xf32, #tpu.memory_space<vmem>>
    %dma_start3A_228 = arith.constant 0 : i32
    %dma_start3A_229 = tpu.memref_slice %arg6[%dma_start3A_224, %dma_start3A_228] : memref<32x128xi32, #tpu.memory_space<vmem>> -> memref<1x128xi32, #tpu.memory_space<vmem>>
    %dma_start3A_230 = tpu.memref_squeeze %dma_start3A_229 : memref<1x128xi32, #tpu.memory_space<vmem>> -> memref<128xi32, #tpu.memory_space<vmem>>
    %dma_start3A_231 = arith.constant 0 : i32
    %dma_start3A_232 = arith.constant 0 : i32
    %dma_start3A_233 = tpu.memref_slice %arg2[%dma_start3A_231, %dma_start3A_232] : memref<131072x16xf32, #tpu.memory_space<hbm>> -> memref<131072x16xf32, #tpu.memory_space<hbm>>
    tpu.enqueue_indirect_dma source(%dma_start3A_233 : memref<131072x16xf32, #tpu.memory_space<hbm>>) target(%dma_start3A_227 : memref<128x16xf32, #tpu.memory_space<vmem>>) offsets(%dma_start3A_230 : memref<128xi32, #tpu.memory_space<vmem>>) semaphore(%arg9 : memref<!tpu.dma_semaphore, #tpu.memory_space<semaphore_mem>>)
    %dma_start3A_234 = arith.constant 23 : i32
    %dma_start3A_235 = arith.constant 2944 : i32
    %dma_start3A_236 = arith.constant 0 : i32
    %dma_start3A_237 = tpu.memref_slice %arg7[%dma_start3A_235, %dma_start3A_236] : memref<4096x16xf32, #tpu.memory_space<vmem>> -> memref<128x16xf32, #tpu.memory_space<vmem>>
    %dma_start3A_238 = arith.constant 0 : i32
    %dma_start3A_239 = tpu.memref_slice %arg6[%dma_start3A_234, %dma_start3A_238] : memref<32x128xi32, #tpu.memory_space<vmem>> -> memref<1x128xi32, #tpu.memory_space<vmem>>
    %dma_start3A_240 = tpu.memref_squeeze %dma_start3A_239 : memref<1x128xi32, #tpu.memory_space<vmem>> -> memref<128xi32, #tpu.memory_space<vmem>>
    %dma_start3A_241 = arith.constant 0 : i32
    %dma_start3A_242 = arith.constant 0 : i32
    %dma_start3A_243 = tpu.memref_slice %arg2[%dma_start3A_241, %dma_start3A_242] : memref<131072x16xf32, #tpu.memory_space<hbm>> -> memref<131072x16xf32, #tpu.memory_space<hbm>>
    tpu.enqueue_indirect_dma source(%dma_start3A_243 : memref<131072x16xf32, #tpu.memory_space<hbm>>) target(%dma_start3A_237 : memref<128x16xf32, #tpu.memory_space<vmem>>) offsets(%dma_start3A_240 : memref<128xi32, #tpu.memory_space<vmem>>) semaphore(%arg9 : memref<!tpu.dma_semaphore, #tpu.memory_space<semaphore_mem>>)
    %dma_start3A_244 = arith.constant 24 : i32
    %dma_start3A_245 = arith.constant 3072 : i32
    %dma_start3A_246 = arith.constant 0 : i32
    %dma_start3A_247 = tpu.memref_slice %arg7[%dma_start3A_245, %dma_start3A_246] : memref<4096x16xf32, #tpu.memory_space<vmem>> -> memref<128x16xf32, #tpu.memory_space<vmem>>
    %dma_start3A_248 = arith.constant 0 : i32
    %dma_start3A_249 = tpu.memref_slice %arg6[%dma_start3A_244, %dma_start3A_248] : memref<32x128xi32, #tpu.memory_space<vmem>> -> memref<1x128xi32, #tpu.memory_space<vmem>>
    %dma_start3A_250 = tpu.memref_squeeze %dma_start3A_249 : memref<1x128xi32, #tpu.memory_space<vmem>> -> memref<128xi32, #tpu.memory_space<vmem>>
    %dma_start3A_251 = arith.constant 0 : i32
    %dma_start3A_252 = arith.constant 0 : i32
    %dma_start3A_253 = tpu.memref_slice %arg2[%dma_start3A_251, %dma_start3A_252] : memref<131072x16xf32, #tpu.memory_space<hbm>> -> memref<131072x16xf32, #tpu.memory_space<hbm>>
    tpu.enqueue_indirect_dma source(%dma_start3A_253 : memref<131072x16xf32, #tpu.memory_space<hbm>>) target(%dma_start3A_247 : memref<128x16xf32, #tpu.memory_space<vmem>>) offsets(%dma_start3A_250 : memref<128xi32, #tpu.memory_space<vmem>>) semaphore(%arg9 : memref<!tpu.dma_semaphore, #tpu.memory_space<semaphore_mem>>)
    %dma_start3A_254 = arith.constant 25 : i32
    %dma_start3A_255 = arith.constant 3200 : i32
    %dma_start3A_256 = arith.constant 0 : i32
    %dma_start3A_257 = tpu.memref_slice %arg7[%dma_start3A_255, %dma_start3A_256] : memref<4096x16xf32, #tpu.memory_space<vmem>> -> memref<128x16xf32, #tpu.memory_space<vmem>>
    %dma_start3A_258 = arith.constant 0 : i32
    %dma_start3A_259 = tpu.memref_slice %arg6[%dma_start3A_254, %dma_start3A_258] : memref<32x128xi32, #tpu.memory_space<vmem>> -> memref<1x128xi32, #tpu.memory_space<vmem>>
    %dma_start3A_260 = tpu.memref_squeeze %dma_start3A_259 : memref<1x128xi32, #tpu.memory_space<vmem>> -> memref<128xi32, #tpu.memory_space<vmem>>
    %dma_start3A_261 = arith.constant 0 : i32
    %dma_start3A_262 = arith.constant 0 : i32
    %dma_start3A_263 = tpu.memref_slice %arg2[%dma_start3A_261, %dma_start3A_262] : memref<131072x16xf32, #tpu.memory_space<hbm>> -> memref<131072x16xf32, #tpu.memory_space<hbm>>
    tpu.enqueue_indirect_dma source(%dma_start3A_263 : memref<131072x16xf32, #tpu.memory_space<hbm>>) target(%dma_start3A_257 : memref<128x16xf32, #tpu.memory_space<vmem>>) offsets(%dma_start3A_260 : memref<128xi32, #tpu.memory_space<vmem>>) semaphore(%arg9 : memref<!tpu.dma_semaphore, #tpu.memory_space<semaphore_mem>>)
    %dma_start3A_264 = arith.constant 26 : i32
    %dma_start3A_265 = arith.constant 3328 : i32
    %dma_start3A_266 = arith.constant 0 : i32
    %dma_start3A_267 = tpu.memref_slice %arg7[%dma_start3A_265, %dma_start3A_266] : memref<4096x16xf32, #tpu.memory_space<vmem>> -> memref<128x16xf32, #tpu.memory_space<vmem>>
    %dma_start3A_268 = arith.constant 0 : i32
    %dma_start3A_269 = tpu.memref_slice %arg6[%dma_start3A_264, %dma_start3A_268] : memref<32x128xi32, #tpu.memory_space<vmem>> -> memref<1x128xi32, #tpu.memory_space<vmem>>
    %dma_start3A_270 = tpu.memref_squeeze %dma_start3A_269 : memref<1x128xi32, #tpu.memory_space<vmem>> -> memref<128xi32, #tpu.memory_space<vmem>>
    %dma_start3A_271 = arith.constant 0 : i32
    %dma_start3A_272 = arith.constant 0 : i32
    %dma_start3A_273 = tpu.memref_slice %arg2[%dma_start3A_271, %dma_start3A_272] : memref<131072x16xf32, #tpu.memory_space<hbm>> -> memref<131072x16xf32, #tpu.memory_space<hbm>>
    tpu.enqueue_indirect_dma source(%dma_start3A_273 : memref<131072x16xf32, #tpu.memory_space<hbm>>) target(%dma_start3A_267 : memref<128x16xf32, #tpu.memory_space<vmem>>) offsets(%dma_start3A_270 : memref<128xi32, #tpu.memory_space<vmem>>) semaphore(%arg9 : memref<!tpu.dma_semaphore, #tpu.memory_space<semaphore_mem>>)
    %dma_start3A_274 = arith.constant 27 : i32
    %dma_start3A_275 = arith.constant 3456 : i32
    %dma_start3A_276 = arith.constant 0 : i32
    %dma_start3A_277 = tpu.memref_slice %arg7[%dma_start3A_275, %dma_start3A_276] : memref<4096x16xf32, #tpu.memory_space<vmem>> -> memref<128x16xf32, #tpu.memory_space<vmem>>
    %dma_start3A_278 = arith.constant 0 : i32
    %dma_start3A_279 = tpu.memref_slice %arg6[%dma_start3A_274, %dma_start3A_278] : memref<32x128xi32, #tpu.memory_space<vmem>> -> memref<1x128xi32, #tpu.memory_space<vmem>>
    %dma_start3A_280 = tpu.memref_squeeze %dma_start3A_279 : memref<1x128xi32, #tpu.memory_space<vmem>> -> memref<128xi32, #tpu.memory_space<vmem>>
    %dma_start3A_281 = arith.constant 0 : i32
    %dma_start3A_282 = arith.constant 0 : i32
    %dma_start3A_283 = tpu.memref_slice %arg2[%dma_start3A_281, %dma_start3A_282] : memref<131072x16xf32, #tpu.memory_space<hbm>> -> memref<131072x16xf32, #tpu.memory_space<hbm>>
    tpu.enqueue_indirect_dma source(%dma_start3A_283 : memref<131072x16xf32, #tpu.memory_space<hbm>>) target(%dma_start3A_277 : memref<128x16xf32, #tpu.memory_space<vmem>>) offsets(%dma_start3A_280 : memref<128xi32, #tpu.memory_space<vmem>>) semaphore(%arg9 : memref<!tpu.dma_semaphore, #tpu.memory_space<semaphore_mem>>)
    %dma_start3A_284 = arith.constant 28 : i32
    %dma_start3A_285 = arith.constant 3584 : i32
    %dma_start3A_286 = arith.constant 0 : i32
    %dma_start3A_287 = tpu.memref_slice %arg7[%dma_start3A_285, %dma_start3A_286] : memref<4096x16xf32, #tpu.memory_space<vmem>> -> memref<128x16xf32, #tpu.memory_space<vmem>>
    %dma_start3A_288 = arith.constant 0 : i32
    %dma_start3A_289 = tpu.memref_slice %arg6[%dma_start3A_284, %dma_start3A_288] : memref<32x128xi32, #tpu.memory_space<vmem>> -> memref<1x128xi32, #tpu.memory_space<vmem>>
    %dma_start3A_290 = tpu.memref_squeeze %dma_start3A_289 : memref<1x128xi32, #tpu.memory_space<vmem>> -> memref<128xi32, #tpu.memory_space<vmem>>
    %dma_start3A_291 = arith.constant 0 : i32
    %dma_start3A_292 = arith.constant 0 : i32
    %dma_start3A_293 = tpu.memref_slice %arg2[%dma_start3A_291, %dma_start3A_292] : memref<131072x16xf32, #tpu.memory_space<hbm>> -> memref<131072x16xf32, #tpu.memory_space<hbm>>
    tpu.enqueue_indirect_dma source(%dma_start3A_293 : memref<131072x16xf32, #tpu.memory_space<hbm>>) target(%dma_start3A_287 : memref<128x16xf32, #tpu.memory_space<vmem>>) offsets(%dma_start3A_290 : memref<128xi32, #tpu.memory_space<vmem>>) semaphore(%arg9 : memref<!tpu.dma_semaphore, #tpu.memory_space<semaphore_mem>>)
    %dma_start3A_294 = arith.constant 29 : i32
    %dma_start3A_295 = arith.constant 3712 : i32
    %dma_start3A_296 = arith.constant 0 : i32
    %dma_start3A_297 = tpu.memref_slice %arg7[%dma_start3A_295, %dma_start3A_296] : memref<4096x16xf32, #tpu.memory_space<vmem>> -> memref<128x16xf32, #tpu.memory_space<vmem>>
    %dma_start3A_298 = arith.constant 0 : i32
    %dma_start3A_299 = tpu.memref_slice %arg6[%dma_start3A_294, %dma_start3A_298] : memref<32x128xi32, #tpu.memory_space<vmem>> -> memref<1x128xi32, #tpu.memory_space<vmem>>
    %dma_start3A_300 = tpu.memref_squeeze %dma_start3A_299 : memref<1x128xi32, #tpu.memory_space<vmem>> -> memref<128xi32, #tpu.memory_space<vmem>>
    %dma_start3A_301 = arith.constant 0 : i32
    %dma_start3A_302 = arith.constant 0 : i32
    %dma_start3A_303 = tpu.memref_slice %arg2[%dma_start3A_301, %dma_start3A_302] : memref<131072x16xf32, #tpu.memory_space<hbm>> -> memref<131072x16xf32, #tpu.memory_space<hbm>>
    tpu.enqueue_indirect_dma source(%dma_start3A_303 : memref<131072x16xf32, #tpu.memory_space<hbm>>) target(%dma_start3A_297 : memref<128x16xf32, #tpu.memory_space<vmem>>) offsets(%dma_start3A_300 : memref<128xi32, #tpu.memory_space<vmem>>) semaphore(%arg9 : memref<!tpu.dma_semaphore, #tpu.memory_space<semaphore_mem>>)
    %dma_start3A_304 = arith.constant 30 : i32
    %dma_start3A_305 = arith.constant 3840 : i32
    %dma_start3A_306 = arith.constant 0 : i32
    %dma_start3A_307 = tpu.memref_slice %arg7[%dma_start3A_305, %dma_start3A_306] : memref<4096x16xf32, #tpu.memory_space<vmem>> -> memref<128x16xf32, #tpu.memory_space<vmem>>
    %dma_start3A_308 = arith.constant 0 : i32
    %dma_start3A_309 = tpu.memref_slice %arg6[%dma_start3A_304, %dma_start3A_308] : memref<32x128xi32, #tpu.memory_space<vmem>> -> memref<1x128xi32, #tpu.memory_space<vmem>>
    %dma_start3A_310 = tpu.memref_squeeze %dma_start3A_309 : memref<1x128xi32, #tpu.memory_space<vmem>> -> memref<128xi32, #tpu.memory_space<vmem>>
    %dma_start3A_311 = arith.constant 0 : i32
    %dma_start3A_312 = arith.constant 0 : i32
    %dma_start3A_313 = tpu.memref_slice %arg2[%dma_start3A_311, %dma_start3A_312] : memref<131072x16xf32, #tpu.memory_space<hbm>> -> memref<131072x16xf32, #tpu.memory_space<hbm>>
    tpu.enqueue_indirect_dma source(%dma_start3A_313 : memref<131072x16xf32, #tpu.memory_space<hbm>>) target(%dma_start3A_307 : memref<128x16xf32, #tpu.memory_space<vmem>>) offsets(%dma_start3A_310 : memref<128xi32, #tpu.memory_space<vmem>>) semaphore(%arg9 : memref<!tpu.dma_semaphore, #tpu.memory_space<semaphore_mem>>)
    %dma_start3A_314 = arith.constant 31 : i32
    %dma_start3A_315 = arith.constant 3968 : i32
    %dma_start3A_316 = arith.constant 0 : i32
    %dma_start3A_317 = tpu.memref_slice %arg7[%dma_start3A_315, %dma_start3A_316] : memref<4096x16xf32, #tpu.memory_space<vmem>> -> memref<128x16xf32, #tpu.memory_space<vmem>>
    %dma_start3A_318 = arith.constant 0 : i32
    %dma_start3A_319 = tpu.memref_slice %arg6[%dma_start3A_314, %dma_start3A_318] : memref<32x128xi32, #tpu.memory_space<vmem>> -> memref<1x128xi32, #tpu.memory_space<vmem>>
    %dma_start3A_320 = tpu.memref_squeeze %dma_start3A_319 : memref<1x128xi32, #tpu.memory_space<vmem>> -> memref<128xi32, #tpu.memory_space<vmem>>
    %dma_start3A_321 = arith.constant 0 : i32
    %dma_start3A_322 = arith.constant 0 : i32
    %dma_start3A_323 = tpu.memref_slice %arg2[%dma_start3A_321, %dma_start3A_322] : memref<131072x16xf32, #tpu.memory_space<hbm>> -> memref<131072x16xf32, #tpu.memory_space<hbm>>
    tpu.enqueue_indirect_dma source(%dma_start3A_323 : memref<131072x16xf32, #tpu.memory_space<hbm>>) target(%dma_start3A_317 : memref<128x16xf32, #tpu.memory_space<vmem>>) offsets(%dma_start3A_320 : memref<128xi32, #tpu.memory_space<vmem>>) semaphore(%arg9 : memref<!tpu.dma_semaphore, #tpu.memory_space<semaphore_mem>>)
    %dma_wait3A = arith.constant 0 : i32
    %dma_wait3A_324 = arith.constant 0 : i32
    %dma_wait3A_325 = arith.constant 0 : i32
    %dma_wait3A_326 = tpu.memref_slice %arg7[%dma_wait3A_324, %dma_wait3A_325] : memref<4096x16xf32, #tpu.memory_space<vmem>> -> memref<128x16xf32, #tpu.memory_space<vmem>>
    %dma_wait3A_327 = arith.constant 0 : i32
    %dma_wait3A_328 = tpu.memref_slice %arg6[%dma_wait3A, %dma_wait3A_327] : memref<32x128xi32, #tpu.memory_space<vmem>> -> memref<1x128xi32, #tpu.memory_space<vmem>>
    %dma_wait3A_329 = tpu.memref_squeeze %dma_wait3A_328 : memref<1x128xi32, #tpu.memory_space<vmem>> -> memref<128xi32, #tpu.memory_space<vmem>>
    %dma_wait3A_330 = arith.constant 0 : i32
    %dma_wait3A_331 = arith.constant 0 : i32
    %dma_wait3A_332 = tpu.memref_slice %arg2[%dma_wait3A_330, %dma_wait3A_331] : memref<131072x16xf32, #tpu.memory_space<hbm>> -> memref<131072x16xf32, #tpu.memory_space<hbm>>
    tpu.wait_indirect_dma semaphore(%arg9 : memref<!tpu.dma_semaphore, #tpu.memory_space<semaphore_mem>>) src(%dma_wait3A_332 : memref<131072x16xf32, #tpu.memory_space<hbm>>) dst(%dma_wait3A_326 : memref<128x16xf32, #tpu.memory_space<vmem>>)
    %dma_wait3A_333 = arith.constant 1 : i32
    %dma_wait3A_334 = arith.constant 128 : i32
    %dma_wait3A_335 = arith.constant 0 : i32
    %dma_wait3A_336 = tpu.memref_slice %arg7[%dma_wait3A_334, %dma_wait3A_335] : memref<4096x16xf32, #tpu.memory_space<vmem>> -> memref<128x16xf32, #tpu.memory_space<vmem>>
    %dma_wait3A_337 = arith.constant 0 : i32
    %dma_wait3A_338 = tpu.memref_slice %arg6[%dma_wait3A_333, %dma_wait3A_337] : memref<32x128xi32, #tpu.memory_space<vmem>> -> memref<1x128xi32, #tpu.memory_space<vmem>>
    %dma_wait3A_339 = tpu.memref_squeeze %dma_wait3A_338 : memref<1x128xi32, #tpu.memory_space<vmem>> -> memref<128xi32, #tpu.memory_space<vmem>>
    %dma_wait3A_340 = arith.constant 0 : i32
    %dma_wait3A_341 = arith.constant 0 : i32
    %dma_wait3A_342 = tpu.memref_slice %arg2[%dma_wait3A_340, %dma_wait3A_341] : memref<131072x16xf32, #tpu.memory_space<hbm>> -> memref<131072x16xf32, #tpu.memory_space<hbm>>
    tpu.wait_indirect_dma semaphore(%arg9 : memref<!tpu.dma_semaphore, #tpu.memory_space<semaphore_mem>>) src(%dma_wait3A_342 : memref<131072x16xf32, #tpu.memory_space<hbm>>) dst(%dma_wait3A_336 : memref<128x16xf32, #tpu.memory_space<vmem>>)
    %dma_wait3A_343 = arith.constant 2 : i32
    %dma_wait3A_344 = arith.constant 256 : i32
    %dma_wait3A_345 = arith.constant 0 : i32
    %dma_wait3A_346 = tpu.memref_slice %arg7[%dma_wait3A_344, %dma_wait3A_345] : memref<4096x16xf32, #tpu.memory_space<vmem>> -> memref<128x16xf32, #tpu.memory_space<vmem>>
    %dma_wait3A_347 = arith.constant 0 : i32
    %dma_wait3A_348 = tpu.memref_slice %arg6[%dma_wait3A_343, %dma_wait3A_347] : memref<32x128xi32, #tpu.memory_space<vmem>> -> memref<1x128xi32, #tpu.memory_space<vmem>>
    %dma_wait3A_349 = tpu.memref_squeeze %dma_wait3A_348 : memref<1x128xi32, #tpu.memory_space<vmem>> -> memref<128xi32, #tpu.memory_space<vmem>>
    %dma_wait3A_350 = arith.constant 0 : i32
    %dma_wait3A_351 = arith.constant 0 : i32
    %dma_wait3A_352 = tpu.memref_slice %arg2[%dma_wait3A_350, %dma_wait3A_351] : memref<131072x16xf32, #tpu.memory_space<hbm>> -> memref<131072x16xf32, #tpu.memory_space<hbm>>
    tpu.wait_indirect_dma semaphore(%arg9 : memref<!tpu.dma_semaphore, #tpu.memory_space<semaphore_mem>>) src(%dma_wait3A_352 : memref<131072x16xf32, #tpu.memory_space<hbm>>) dst(%dma_wait3A_346 : memref<128x16xf32, #tpu.memory_space<vmem>>)
    %dma_wait3A_353 = arith.constant 3 : i32
    %dma_wait3A_354 = arith.constant 384 : i32
    %dma_wait3A_355 = arith.constant 0 : i32
    %dma_wait3A_356 = tpu.memref_slice %arg7[%dma_wait3A_354, %dma_wait3A_355] : memref<4096x16xf32, #tpu.memory_space<vmem>> -> memref<128x16xf32, #tpu.memory_space<vmem>>
    %dma_wait3A_357 = arith.constant 0 : i32
    %dma_wait3A_358 = tpu.memref_slice %arg6[%dma_wait3A_353, %dma_wait3A_357] : memref<32x128xi32, #tpu.memory_space<vmem>> -> memref<1x128xi32, #tpu.memory_space<vmem>>
    %dma_wait3A_359 = tpu.memref_squeeze %dma_wait3A_358 : memref<1x128xi32, #tpu.memory_space<vmem>> -> memref<128xi32, #tpu.memory_space<vmem>>
    %dma_wait3A_360 = arith.constant 0 : i32
    %dma_wait3A_361 = arith.constant 0 : i32
    %dma_wait3A_362 = tpu.memref_slice %arg2[%dma_wait3A_360, %dma_wait3A_361] : memref<131072x16xf32, #tpu.memory_space<hbm>> -> memref<131072x16xf32, #tpu.memory_space<hbm>>
    tpu.wait_indirect_dma semaphore(%arg9 : memref<!tpu.dma_semaphore, #tpu.memory_space<semaphore_mem>>) src(%dma_wait3A_362 : memref<131072x16xf32, #tpu.memory_space<hbm>>) dst(%dma_wait3A_356 : memref<128x16xf32, #tpu.memory_space<vmem>>)
    %dma_wait3A_363 = arith.constant 4 : i32
    %dma_wait3A_364 = arith.constant 512 : i32
    %dma_wait3A_365 = arith.constant 0 : i32
    %dma_wait3A_366 = tpu.memref_slice %arg7[%dma_wait3A_364, %dma_wait3A_365] : memref<4096x16xf32, #tpu.memory_space<vmem>> -> memref<128x16xf32, #tpu.memory_space<vmem>>
    %dma_wait3A_367 = arith.constant 0 : i32
    %dma_wait3A_368 = tpu.memref_slice %arg6[%dma_wait3A_363, %dma_wait3A_367] : memref<32x128xi32, #tpu.memory_space<vmem>> -> memref<1x128xi32, #tpu.memory_space<vmem>>
    %dma_wait3A_369 = tpu.memref_squeeze %dma_wait3A_368 : memref<1x128xi32, #tpu.memory_space<vmem>> -> memref<128xi32, #tpu.memory_space<vmem>>
    %dma_wait3A_370 = arith.constant 0 : i32
    %dma_wait3A_371 = arith.constant 0 : i32
    %dma_wait3A_372 = tpu.memref_slice %arg2[%dma_wait3A_370, %dma_wait3A_371] : memref<131072x16xf32, #tpu.memory_space<hbm>> -> memref<131072x16xf32, #tpu.memory_space<hbm>>
    tpu.wait_indirect_dma semaphore(%arg9 : memref<!tpu.dma_semaphore, #tpu.memory_space<semaphore_mem>>) src(%dma_wait3A_372 : memref<131072x16xf32, #tpu.memory_space<hbm>>) dst(%dma_wait3A_366 : memref<128x16xf32, #tpu.memory_space<vmem>>)
    %dma_wait3A_373 = arith.constant 5 : i32
    %dma_wait3A_374 = arith.constant 640 : i32
    %dma_wait3A_375 = arith.constant 0 : i32
    %dma_wait3A_376 = tpu.memref_slice %arg7[%dma_wait3A_374, %dma_wait3A_375] : memref<4096x16xf32, #tpu.memory_space<vmem>> -> memref<128x16xf32, #tpu.memory_space<vmem>>
    %dma_wait3A_377 = arith.constant 0 : i32
    %dma_wait3A_378 = tpu.memref_slice %arg6[%dma_wait3A_373, %dma_wait3A_377] : memref<32x128xi32, #tpu.memory_space<vmem>> -> memref<1x128xi32, #tpu.memory_space<vmem>>
    %dma_wait3A_379 = tpu.memref_squeeze %dma_wait3A_378 : memref<1x128xi32, #tpu.memory_space<vmem>> -> memref<128xi32, #tpu.memory_space<vmem>>
    %dma_wait3A_380 = arith.constant 0 : i32
    %dma_wait3A_381 = arith.constant 0 : i32
    %dma_wait3A_382 = tpu.memref_slice %arg2[%dma_wait3A_380, %dma_wait3A_381] : memref<131072x16xf32, #tpu.memory_space<hbm>> -> memref<131072x16xf32, #tpu.memory_space<hbm>>
    tpu.wait_indirect_dma semaphore(%arg9 : memref<!tpu.dma_semaphore, #tpu.memory_space<semaphore_mem>>) src(%dma_wait3A_382 : memref<131072x16xf32, #tpu.memory_space<hbm>>) dst(%dma_wait3A_376 : memref<128x16xf32, #tpu.memory_space<vmem>>)
    %dma_wait3A_383 = arith.constant 6 : i32
    %dma_wait3A_384 = arith.constant 768 : i32
    %dma_wait3A_385 = arith.constant 0 : i32
    %dma_wait3A_386 = tpu.memref_slice %arg7[%dma_wait3A_384, %dma_wait3A_385] : memref<4096x16xf32, #tpu.memory_space<vmem>> -> memref<128x16xf32, #tpu.memory_space<vmem>>
    %dma_wait3A_387 = arith.constant 0 : i32
    %dma_wait3A_388 = tpu.memref_slice %arg6[%dma_wait3A_383, %dma_wait3A_387] : memref<32x128xi32, #tpu.memory_space<vmem>> -> memref<1x128xi32, #tpu.memory_space<vmem>>
    %dma_wait3A_389 = tpu.memref_squeeze %dma_wait3A_388 : memref<1x128xi32, #tpu.memory_space<vmem>> -> memref<128xi32, #tpu.memory_space<vmem>>
    %dma_wait3A_390 = arith.constant 0 : i32
    %dma_wait3A_391 = arith.constant 0 : i32
    %dma_wait3A_392 = tpu.memref_slice %arg2[%dma_wait3A_390, %dma_wait3A_391] : memref<131072x16xf32, #tpu.memory_space<hbm>> -> memref<131072x16xf32, #tpu.memory_space<hbm>>
    tpu.wait_indirect_dma semaphore(%arg9 : memref<!tpu.dma_semaphore, #tpu.memory_space<semaphore_mem>>) src(%dma_wait3A_392 : memref<131072x16xf32, #tpu.memory_space<hbm>>) dst(%dma_wait3A_386 : memref<128x16xf32, #tpu.memory_space<vmem>>)
    %dma_wait3A_393 = arith.constant 7 : i32
    %dma_wait3A_394 = arith.constant 896 : i32
    %dma_wait3A_395 = arith.constant 0 : i32
    %dma_wait3A_396 = tpu.memref_slice %arg7[%dma_wait3A_394, %dma_wait3A_395] : memref<4096x16xf32, #tpu.memory_space<vmem>> -> memref<128x16xf32, #tpu.memory_space<vmem>>
    %dma_wait3A_397 = arith.constant 0 : i32
    %dma_wait3A_398 = tpu.memref_slice %arg6[%dma_wait3A_393, %dma_wait3A_397] : memref<32x128xi32, #tpu.memory_space<vmem>> -> memref<1x128xi32, #tpu.memory_space<vmem>>
    %dma_wait3A_399 = tpu.memref_squeeze %dma_wait3A_398 : memref<1x128xi32, #tpu.memory_space<vmem>> -> memref<128xi32, #tpu.memory_space<vmem>>
    %dma_wait3A_400 = arith.constant 0 : i32
    %dma_wait3A_401 = arith.constant 0 : i32
    %dma_wait3A_402 = tpu.memref_slice %arg2[%dma_wait3A_400, %dma_wait3A_401] : memref<131072x16xf32, #tpu.memory_space<hbm>> -> memref<131072x16xf32, #tpu.memory_space<hbm>>
    tpu.wait_indirect_dma semaphore(%arg9 : memref<!tpu.dma_semaphore, #tpu.memory_space<semaphore_mem>>) src(%dma_wait3A_402 : memref<131072x16xf32, #tpu.memory_space<hbm>>) dst(%dma_wait3A_396 : memref<128x16xf32, #tpu.memory_space<vmem>>)
    %dma_wait3A_403 = arith.constant 8 : i32
    %dma_wait3A_404 = arith.constant 1024 : i32
    %dma_wait3A_405 = arith.constant 0 : i32
    %dma_wait3A_406 = tpu.memref_slice %arg7[%dma_wait3A_404, %dma_wait3A_405] : memref<4096x16xf32, #tpu.memory_space<vmem>> -> memref<128x16xf32, #tpu.memory_space<vmem>>
    %dma_wait3A_407 = arith.constant 0 : i32
    %dma_wait3A_408 = tpu.memref_slice %arg6[%dma_wait3A_403, %dma_wait3A_407] : memref<32x128xi32, #tpu.memory_space<vmem>> -> memref<1x128xi32, #tpu.memory_space<vmem>>
    %dma_wait3A_409 = tpu.memref_squeeze %dma_wait3A_408 : memref<1x128xi32, #tpu.memory_space<vmem>> -> memref<128xi32, #tpu.memory_space<vmem>>
    %dma_wait3A_410 = arith.constant 0 : i32
    %dma_wait3A_411 = arith.constant 0 : i32
    %dma_wait3A_412 = tpu.memref_slice %arg2[%dma_wait3A_410, %dma_wait3A_411] : memref<131072x16xf32, #tpu.memory_space<hbm>> -> memref<131072x16xf32, #tpu.memory_space<hbm>>
    tpu.wait_indirect_dma semaphore(%arg9 : memref<!tpu.dma_semaphore, #tpu.memory_space<semaphore_mem>>) src(%dma_wait3A_412 : memref<131072x16xf32, #tpu.memory_space<hbm>>) dst(%dma_wait3A_406 : memref<128x16xf32, #tpu.memory_space<vmem>>)
    %dma_wait3A_413 = arith.constant 9 : i32
    %dma_wait3A_414 = arith.constant 1152 : i32
    %dma_wait3A_415 = arith.constant 0 : i32
    %dma_wait3A_416 = tpu.memref_slice %arg7[%dma_wait3A_414, %dma_wait3A_415] : memref<4096x16xf32, #tpu.memory_space<vmem>> -> memref<128x16xf32, #tpu.memory_space<vmem>>
    %dma_wait3A_417 = arith.constant 0 : i32
    %dma_wait3A_418 = tpu.memref_slice %arg6[%dma_wait3A_413, %dma_wait3A_417] : memref<32x128xi32, #tpu.memory_space<vmem>> -> memref<1x128xi32, #tpu.memory_space<vmem>>
    %dma_wait3A_419 = tpu.memref_squeeze %dma_wait3A_418 : memref<1x128xi32, #tpu.memory_space<vmem>> -> memref<128xi32, #tpu.memory_space<vmem>>
    %dma_wait3A_420 = arith.constant 0 : i32
    %dma_wait3A_421 = arith.constant 0 : i32
    %dma_wait3A_422 = tpu.memref_slice %arg2[%dma_wait3A_420, %dma_wait3A_421] : memref<131072x16xf32, #tpu.memory_space<hbm>> -> memref<131072x16xf32, #tpu.memory_space<hbm>>
    tpu.wait_indirect_dma semaphore(%arg9 : memref<!tpu.dma_semaphore, #tpu.memory_space<semaphore_mem>>) src(%dma_wait3A_422 : memref<131072x16xf32, #tpu.memory_space<hbm>>) dst(%dma_wait3A_416 : memref<128x16xf32, #tpu.memory_space<vmem>>)
    %dma_wait3A_423 = arith.constant 10 : i32
    %dma_wait3A_424 = arith.constant 1280 : i32
    %dma_wait3A_425 = arith.constant 0 : i32
    %dma_wait3A_426 = tpu.memref_slice %arg7[%dma_wait3A_424, %dma_wait3A_425] : memref<4096x16xf32, #tpu.memory_space<vmem>> -> memref<128x16xf32, #tpu.memory_space<vmem>>
    %dma_wait3A_427 = arith.constant 0 : i32
    %dma_wait3A_428 = tpu.memref_slice %arg6[%dma_wait3A_423, %dma_wait3A_427] : memref<32x128xi32, #tpu.memory_space<vmem>> -> memref<1x128xi32, #tpu.memory_space<vmem>>
    %dma_wait3A_429 = tpu.memref_squeeze %dma_wait3A_428 : memref<1x128xi32, #tpu.memory_space<vmem>> -> memref<128xi32, #tpu.memory_space<vmem>>
    %dma_wait3A_430 = arith.constant 0 : i32
    %dma_wait3A_431 = arith.constant 0 : i32
    %dma_wait3A_432 = tpu.memref_slice %arg2[%dma_wait3A_430, %dma_wait3A_431] : memref<131072x16xf32, #tpu.memory_space<hbm>> -> memref<131072x16xf32, #tpu.memory_space<hbm>>
    tpu.wait_indirect_dma semaphore(%arg9 : memref<!tpu.dma_semaphore, #tpu.memory_space<semaphore_mem>>) src(%dma_wait3A_432 : memref<131072x16xf32, #tpu.memory_space<hbm>>) dst(%dma_wait3A_426 : memref<128x16xf32, #tpu.memory_space<vmem>>)
    %dma_wait3A_433 = arith.constant 11 : i32
    %dma_wait3A_434 = arith.constant 1408 : i32
    %dma_wait3A_435 = arith.constant 0 : i32
    %dma_wait3A_436 = tpu.memref_slice %arg7[%dma_wait3A_434, %dma_wait3A_435] : memref<4096x16xf32, #tpu.memory_space<vmem>> -> memref<128x16xf32, #tpu.memory_space<vmem>>
    %dma_wait3A_437 = arith.constant 0 : i32
    %dma_wait3A_438 = tpu.memref_slice %arg6[%dma_wait3A_433, %dma_wait3A_437] : memref<32x128xi32, #tpu.memory_space<vmem>> -> memref<1x128xi32, #tpu.memory_space<vmem>>
    %dma_wait3A_439 = tpu.memref_squeeze %dma_wait3A_438 : memref<1x128xi32, #tpu.memory_space<vmem>> -> memref<128xi32, #tpu.memory_space<vmem>>
    %dma_wait3A_440 = arith.constant 0 : i32
    %dma_wait3A_441 = arith.constant 0 : i32
    %dma_wait3A_442 = tpu.memref_slice %arg2[%dma_wait3A_440, %dma_wait3A_441] : memref<131072x16xf32, #tpu.memory_space<hbm>> -> memref<131072x16xf32, #tpu.memory_space<hbm>>
    tpu.wait_indirect_dma semaphore(%arg9 : memref<!tpu.dma_semaphore, #tpu.memory_space<semaphore_mem>>) src(%dma_wait3A_442 : memref<131072x16xf32, #tpu.memory_space<hbm>>) dst(%dma_wait3A_436 : memref<128x16xf32, #tpu.memory_space<vmem>>)
    %dma_wait3A_443 = arith.constant 12 : i32
    %dma_wait3A_444 = arith.constant 1536 : i32
    %dma_wait3A_445 = arith.constant 0 : i32
    %dma_wait3A_446 = tpu.memref_slice %arg7[%dma_wait3A_444, %dma_wait3A_445] : memref<4096x16xf32, #tpu.memory_space<vmem>> -> memref<128x16xf32, #tpu.memory_space<vmem>>
    %dma_wait3A_447 = arith.constant 0 : i32
    %dma_wait3A_448 = tpu.memref_slice %arg6[%dma_wait3A_443, %dma_wait3A_447] : memref<32x128xi32, #tpu.memory_space<vmem>> -> memref<1x128xi32, #tpu.memory_space<vmem>>
    %dma_wait3A_449 = tpu.memref_squeeze %dma_wait3A_448 : memref<1x128xi32, #tpu.memory_space<vmem>> -> memref<128xi32, #tpu.memory_space<vmem>>
    %dma_wait3A_450 = arith.constant 0 : i32
    %dma_wait3A_451 = arith.constant 0 : i32
    %dma_wait3A_452 = tpu.memref_slice %arg2[%dma_wait3A_450, %dma_wait3A_451] : memref<131072x16xf32, #tpu.memory_space<hbm>> -> memref<131072x16xf32, #tpu.memory_space<hbm>>
    tpu.wait_indirect_dma semaphore(%arg9 : memref<!tpu.dma_semaphore, #tpu.memory_space<semaphore_mem>>) src(%dma_wait3A_452 : memref<131072x16xf32, #tpu.memory_space<hbm>>) dst(%dma_wait3A_446 : memref<128x16xf32, #tpu.memory_space<vmem>>)
    %dma_wait3A_453 = arith.constant 13 : i32
    %dma_wait3A_454 = arith.constant 1664 : i32
    %dma_wait3A_455 = arith.constant 0 : i32
    %dma_wait3A_456 = tpu.memref_slice %arg7[%dma_wait3A_454, %dma_wait3A_455] : memref<4096x16xf32, #tpu.memory_space<vmem>> -> memref<128x16xf32, #tpu.memory_space<vmem>>
    %dma_wait3A_457 = arith.constant 0 : i32
    %dma_wait3A_458 = tpu.memref_slice %arg6[%dma_wait3A_453, %dma_wait3A_457] : memref<32x128xi32, #tpu.memory_space<vmem>> -> memref<1x128xi32, #tpu.memory_space<vmem>>
    %dma_wait3A_459 = tpu.memref_squeeze %dma_wait3A_458 : memref<1x128xi32, #tpu.memory_space<vmem>> -> memref<128xi32, #tpu.memory_space<vmem>>
    %dma_wait3A_460 = arith.constant 0 : i32
    %dma_wait3A_461 = arith.constant 0 : i32
    %dma_wait3A_462 = tpu.memref_slice %arg2[%dma_wait3A_460, %dma_wait3A_461] : memref<131072x16xf32, #tpu.memory_space<hbm>> -> memref<131072x16xf32, #tpu.memory_space<hbm>>
    tpu.wait_indirect_dma semaphore(%arg9 : memref<!tpu.dma_semaphore, #tpu.memory_space<semaphore_mem>>) src(%dma_wait3A_462 : memref<131072x16xf32, #tpu.memory_space<hbm>>) dst(%dma_wait3A_456 : memref<128x16xf32, #tpu.memory_space<vmem>>)
    %dma_wait3A_463 = arith.constant 14 : i32
    %dma_wait3A_464 = arith.constant 1792 : i32
    %dma_wait3A_465 = arith.constant 0 : i32
    %dma_wait3A_466 = tpu.memref_slice %arg7[%dma_wait3A_464, %dma_wait3A_465] : memref<4096x16xf32, #tpu.memory_space<vmem>> -> memref<128x16xf32, #tpu.memory_space<vmem>>
    %dma_wait3A_467 = arith.constant 0 : i32
    %dma_wait3A_468 = tpu.memref_slice %arg6[%dma_wait3A_463, %dma_wait3A_467] : memref<32x128xi32, #tpu.memory_space<vmem>> -> memref<1x128xi32, #tpu.memory_space<vmem>>
    %dma_wait3A_469 = tpu.memref_squeeze %dma_wait3A_468 : memref<1x128xi32, #tpu.memory_space<vmem>> -> memref<128xi32, #tpu.memory_space<vmem>>
    %dma_wait3A_470 = arith.constant 0 : i32
    %dma_wait3A_471 = arith.constant 0 : i32
    %dma_wait3A_472 = tpu.memref_slice %arg2[%dma_wait3A_470, %dma_wait3A_471] : memref<131072x16xf32, #tpu.memory_space<hbm>> -> memref<131072x16xf32, #tpu.memory_space<hbm>>
    tpu.wait_indirect_dma semaphore(%arg9 : memref<!tpu.dma_semaphore, #tpu.memory_space<semaphore_mem>>) src(%dma_wait3A_472 : memref<131072x16xf32, #tpu.memory_space<hbm>>) dst(%dma_wait3A_466 : memref<128x16xf32, #tpu.memory_space<vmem>>)
    %dma_wait3A_473 = arith.constant 15 : i32
    %dma_wait3A_474 = arith.constant 1920 : i32
    %dma_wait3A_475 = arith.constant 0 : i32
    %dma_wait3A_476 = tpu.memref_slice %arg7[%dma_wait3A_474, %dma_wait3A_475] : memref<4096x16xf32, #tpu.memory_space<vmem>> -> memref<128x16xf32, #tpu.memory_space<vmem>>
    %dma_wait3A_477 = arith.constant 0 : i32
    %dma_wait3A_478 = tpu.memref_slice %arg6[%dma_wait3A_473, %dma_wait3A_477] : memref<32x128xi32, #tpu.memory_space<vmem>> -> memref<1x128xi32, #tpu.memory_space<vmem>>
    %dma_wait3A_479 = tpu.memref_squeeze %dma_wait3A_478 : memref<1x128xi32, #tpu.memory_space<vmem>> -> memref<128xi32, #tpu.memory_space<vmem>>
    %dma_wait3A_480 = arith.constant 0 : i32
    %dma_wait3A_481 = arith.constant 0 : i32
    %dma_wait3A_482 = tpu.memref_slice %arg2[%dma_wait3A_480, %dma_wait3A_481] : memref<131072x16xf32, #tpu.memory_space<hbm>> -> memref<131072x16xf32, #tpu.memory_space<hbm>>
    tpu.wait_indirect_dma semaphore(%arg9 : memref<!tpu.dma_semaphore, #tpu.memory_space<semaphore_mem>>) src(%dma_wait3A_482 : memref<131072x16xf32, #tpu.memory_space<hbm>>) dst(%dma_wait3A_476 : memref<128x16xf32, #tpu.memory_space<vmem>>)
    %dma_wait3A_483 = arith.constant 16 : i32
    %dma_wait3A_484 = arith.constant 2048 : i32
    %dma_wait3A_485 = arith.constant 0 : i32
    %dma_wait3A_486 = tpu.memref_slice %arg7[%dma_wait3A_484, %dma_wait3A_485] : memref<4096x16xf32, #tpu.memory_space<vmem>> -> memref<128x16xf32, #tpu.memory_space<vmem>>
    %dma_wait3A_487 = arith.constant 0 : i32
    %dma_wait3A_488 = tpu.memref_slice %arg6[%dma_wait3A_483, %dma_wait3A_487] : memref<32x128xi32, #tpu.memory_space<vmem>> -> memref<1x128xi32, #tpu.memory_space<vmem>>
    %dma_wait3A_489 = tpu.memref_squeeze %dma_wait3A_488 : memref<1x128xi32, #tpu.memory_space<vmem>> -> memref<128xi32, #tpu.memory_space<vmem>>
    %dma_wait3A_490 = arith.constant 0 : i32
    %dma_wait3A_491 = arith.constant 0 : i32
    %dma_wait3A_492 = tpu.memref_slice %arg2[%dma_wait3A_490, %dma_wait3A_491] : memref<131072x16xf32, #tpu.memory_space<hbm>> -> memref<131072x16xf32, #tpu.memory_space<hbm>>
    tpu.wait_indirect_dma semaphore(%arg9 : memref<!tpu.dma_semaphore, #tpu.memory_space<semaphore_mem>>) src(%dma_wait3A_492 : memref<131072x16xf32, #tpu.memory_space<hbm>>) dst(%dma_wait3A_486 : memref<128x16xf32, #tpu.memory_space<vmem>>)
    %dma_wait3A_493 = arith.constant 17 : i32
    %dma_wait3A_494 = arith.constant 2176 : i32
    %dma_wait3A_495 = arith.constant 0 : i32
    %dma_wait3A_496 = tpu.memref_slice %arg7[%dma_wait3A_494, %dma_wait3A_495] : memref<4096x16xf32, #tpu.memory_space<vmem>> -> memref<128x16xf32, #tpu.memory_space<vmem>>
    %dma_wait3A_497 = arith.constant 0 : i32
    %dma_wait3A_498 = tpu.memref_slice %arg6[%dma_wait3A_493, %dma_wait3A_497] : memref<32x128xi32, #tpu.memory_space<vmem>> -> memref<1x128xi32, #tpu.memory_space<vmem>>
    %dma_wait3A_499 = tpu.memref_squeeze %dma_wait3A_498 : memref<1x128xi32, #tpu.memory_space<vmem>> -> memref<128xi32, #tpu.memory_space<vmem>>
    %dma_wait3A_500 = arith.constant 0 : i32
    %dma_wait3A_501 = arith.constant 0 : i32
    %dma_wait3A_502 = tpu.memref_slice %arg2[%dma_wait3A_500, %dma_wait3A_501] : memref<131072x16xf32, #tpu.memory_space<hbm>> -> memref<131072x16xf32, #tpu.memory_space<hbm>>
    tpu.wait_indirect_dma semaphore(%arg9 : memref<!tpu.dma_semaphore, #tpu.memory_space<semaphore_mem>>) src(%dma_wait3A_502 : memref<131072x16xf32, #tpu.memory_space<hbm>>) dst(%dma_wait3A_496 : memref<128x16xf32, #tpu.memory_space<vmem>>)
    %dma_wait3A_503 = arith.constant 18 : i32
    %dma_wait3A_504 = arith.constant 2304 : i32
    %dma_wait3A_505 = arith.constant 0 : i32
    %dma_wait3A_506 = tpu.memref_slice %arg7[%dma_wait3A_504, %dma_wait3A_505] : memref<4096x16xf32, #tpu.memory_space<vmem>> -> memref<128x16xf32, #tpu.memory_space<vmem>>
    %dma_wait3A_507 = arith.constant 0 : i32
    %dma_wait3A_508 = tpu.memref_slice %arg6[%dma_wait3A_503, %dma_wait3A_507] : memref<32x128xi32, #tpu.memory_space<vmem>> -> memref<1x128xi32, #tpu.memory_space<vmem>>
    %dma_wait3A_509 = tpu.memref_squeeze %dma_wait3A_508 : memref<1x128xi32, #tpu.memory_space<vmem>> -> memref<128xi32, #tpu.memory_space<vmem>>
    %dma_wait3A_510 = arith.constant 0 : i32
    %dma_wait3A_511 = arith.constant 0 : i32
    %dma_wait3A_512 = tpu.memref_slice %arg2[%dma_wait3A_510, %dma_wait3A_511] : memref<131072x16xf32, #tpu.memory_space<hbm>> -> memref<131072x16xf32, #tpu.memory_space<hbm>>
    tpu.wait_indirect_dma semaphore(%arg9 : memref<!tpu.dma_semaphore, #tpu.memory_space<semaphore_mem>>) src(%dma_wait3A_512 : memref<131072x16xf32, #tpu.memory_space<hbm>>) dst(%dma_wait3A_506 : memref<128x16xf32, #tpu.memory_space<vmem>>)
    %dma_wait3A_513 = arith.constant 19 : i32
    %dma_wait3A_514 = arith.constant 2432 : i32
    %dma_wait3A_515 = arith.constant 0 : i32
    %dma_wait3A_516 = tpu.memref_slice %arg7[%dma_wait3A_514, %dma_wait3A_515] : memref<4096x16xf32, #tpu.memory_space<vmem>> -> memref<128x16xf32, #tpu.memory_space<vmem>>
    %dma_wait3A_517 = arith.constant 0 : i32
    %dma_wait3A_518 = tpu.memref_slice %arg6[%dma_wait3A_513, %dma_wait3A_517] : memref<32x128xi32, #tpu.memory_space<vmem>> -> memref<1x128xi32, #tpu.memory_space<vmem>>
    %dma_wait3A_519 = tpu.memref_squeeze %dma_wait3A_518 : memref<1x128xi32, #tpu.memory_space<vmem>> -> memref<128xi32, #tpu.memory_space<vmem>>
    %dma_wait3A_520 = arith.constant 0 : i32
    %dma_wait3A_521 = arith.constant 0 : i32
    %dma_wait3A_522 = tpu.memref_slice %arg2[%dma_wait3A_520, %dma_wait3A_521] : memref<131072x16xf32, #tpu.memory_space<hbm>> -> memref<131072x16xf32, #tpu.memory_space<hbm>>
    tpu.wait_indirect_dma semaphore(%arg9 : memref<!tpu.dma_semaphore, #tpu.memory_space<semaphore_mem>>) src(%dma_wait3A_522 : memref<131072x16xf32, #tpu.memory_space<hbm>>) dst(%dma_wait3A_516 : memref<128x16xf32, #tpu.memory_space<vmem>>)
    %dma_wait3A_523 = arith.constant 20 : i32
    %dma_wait3A_524 = arith.constant 2560 : i32
    %dma_wait3A_525 = arith.constant 0 : i32
    %dma_wait3A_526 = tpu.memref_slice %arg7[%dma_wait3A_524, %dma_wait3A_525] : memref<4096x16xf32, #tpu.memory_space<vmem>> -> memref<128x16xf32, #tpu.memory_space<vmem>>
    %dma_wait3A_527 = arith.constant 0 : i32
    %dma_wait3A_528 = tpu.memref_slice %arg6[%dma_wait3A_523, %dma_wait3A_527] : memref<32x128xi32, #tpu.memory_space<vmem>> -> memref<1x128xi32, #tpu.memory_space<vmem>>
    %dma_wait3A_529 = tpu.memref_squeeze %dma_wait3A_528 : memref<1x128xi32, #tpu.memory_space<vmem>> -> memref<128xi32, #tpu.memory_space<vmem>>
    %dma_wait3A_530 = arith.constant 0 : i32
    %dma_wait3A_531 = arith.constant 0 : i32
    %dma_wait3A_532 = tpu.memref_slice %arg2[%dma_wait3A_530, %dma_wait3A_531] : memref<131072x16xf32, #tpu.memory_space<hbm>> -> memref<131072x16xf32, #tpu.memory_space<hbm>>
    tpu.wait_indirect_dma semaphore(%arg9 : memref<!tpu.dma_semaphore, #tpu.memory_space<semaphore_mem>>) src(%dma_wait3A_532 : memref<131072x16xf32, #tpu.memory_space<hbm>>) dst(%dma_wait3A_526 : memref<128x16xf32, #tpu.memory_space<vmem>>)
    %dma_wait3A_533 = arith.constant 21 : i32
    %dma_wait3A_534 = arith.constant 2688 : i32
    %dma_wait3A_535 = arith.constant 0 : i32
    %dma_wait3A_536 = tpu.memref_slice %arg7[%dma_wait3A_534, %dma_wait3A_535] : memref<4096x16xf32, #tpu.memory_space<vmem>> -> memref<128x16xf32, #tpu.memory_space<vmem>>
    %dma_wait3A_537 = arith.constant 0 : i32
    %dma_wait3A_538 = tpu.memref_slice %arg6[%dma_wait3A_533, %dma_wait3A_537] : memref<32x128xi32, #tpu.memory_space<vmem>> -> memref<1x128xi32, #tpu.memory_space<vmem>>
    %dma_wait3A_539 = tpu.memref_squeeze %dma_wait3A_538 : memref<1x128xi32, #tpu.memory_space<vmem>> -> memref<128xi32, #tpu.memory_space<vmem>>
    %dma_wait3A_540 = arith.constant 0 : i32
    %dma_wait3A_541 = arith.constant 0 : i32
    %dma_wait3A_542 = tpu.memref_slice %arg2[%dma_wait3A_540, %dma_wait3A_541] : memref<131072x16xf32, #tpu.memory_space<hbm>> -> memref<131072x16xf32, #tpu.memory_space<hbm>>
    tpu.wait_indirect_dma semaphore(%arg9 : memref<!tpu.dma_semaphore, #tpu.memory_space<semaphore_mem>>) src(%dma_wait3A_542 : memref<131072x16xf32, #tpu.memory_space<hbm>>) dst(%dma_wait3A_536 : memref<128x16xf32, #tpu.memory_space<vmem>>)
    %dma_wait3A_543 = arith.constant 22 : i32
    %dma_wait3A_544 = arith.constant 2816 : i32
    %dma_wait3A_545 = arith.constant 0 : i32
    %dma_wait3A_546 = tpu.memref_slice %arg7[%dma_wait3A_544, %dma_wait3A_545] : memref<4096x16xf32, #tpu.memory_space<vmem>> -> memref<128x16xf32, #tpu.memory_space<vmem>>
    %dma_wait3A_547 = arith.constant 0 : i32
    %dma_wait3A_548 = tpu.memref_slice %arg6[%dma_wait3A_543, %dma_wait3A_547] : memref<32x128xi32, #tpu.memory_space<vmem>> -> memref<1x128xi32, #tpu.memory_space<vmem>>
    %dma_wait3A_549 = tpu.memref_squeeze %dma_wait3A_548 : memref<1x128xi32, #tpu.memory_space<vmem>> -> memref<128xi32, #tpu.memory_space<vmem>>
    %dma_wait3A_550 = arith.constant 0 : i32
    %dma_wait3A_551 = arith.constant 0 : i32
    %dma_wait3A_552 = tpu.memref_slice %arg2[%dma_wait3A_550, %dma_wait3A_551] : memref<131072x16xf32, #tpu.memory_space<hbm>> -> memref<131072x16xf32, #tpu.memory_space<hbm>>
    tpu.wait_indirect_dma semaphore(%arg9 : memref<!tpu.dma_semaphore, #tpu.memory_space<semaphore_mem>>) src(%dma_wait3A_552 : memref<131072x16xf32, #tpu.memory_space<hbm>>) dst(%dma_wait3A_546 : memref<128x16xf32, #tpu.memory_space<vmem>>)
    %dma_wait3A_553 = arith.constant 23 : i32
    %dma_wait3A_554 = arith.constant 2944 : i32
    %dma_wait3A_555 = arith.constant 0 : i32
    %dma_wait3A_556 = tpu.memref_slice %arg7[%dma_wait3A_554, %dma_wait3A_555] : memref<4096x16xf32, #tpu.memory_space<vmem>> -> memref<128x16xf32, #tpu.memory_space<vmem>>
    %dma_wait3A_557 = arith.constant 0 : i32
    %dma_wait3A_558 = tpu.memref_slice %arg6[%dma_wait3A_553, %dma_wait3A_557] : memref<32x128xi32, #tpu.memory_space<vmem>> -> memref<1x128xi32, #tpu.memory_space<vmem>>
    %dma_wait3A_559 = tpu.memref_squeeze %dma_wait3A_558 : memref<1x128xi32, #tpu.memory_space<vmem>> -> memref<128xi32, #tpu.memory_space<vmem>>
    %dma_wait3A_560 = arith.constant 0 : i32
    %dma_wait3A_561 = arith.constant 0 : i32
    %dma_wait3A_562 = tpu.memref_slice %arg2[%dma_wait3A_560, %dma_wait3A_561] : memref<131072x16xf32, #tpu.memory_space<hbm>> -> memref<131072x16xf32, #tpu.memory_space<hbm>>
    tpu.wait_indirect_dma semaphore(%arg9 : memref<!tpu.dma_semaphore, #tpu.memory_space<semaphore_mem>>) src(%dma_wait3A_562 : memref<131072x16xf32, #tpu.memory_space<hbm>>) dst(%dma_wait3A_556 : memref<128x16xf32, #tpu.memory_space<vmem>>)
    %dma_wait3A_563 = arith.constant 24 : i32
    %dma_wait3A_564 = arith.constant 3072 : i32
    %dma_wait3A_565 = arith.constant 0 : i32
    %dma_wait3A_566 = tpu.memref_slice %arg7[%dma_wait3A_564, %dma_wait3A_565] : memref<4096x16xf32, #tpu.memory_space<vmem>> -> memref<128x16xf32, #tpu.memory_space<vmem>>
    %dma_wait3A_567 = arith.constant 0 : i32
    %dma_wait3A_568 = tpu.memref_slice %arg6[%dma_wait3A_563, %dma_wait3A_567] : memref<32x128xi32, #tpu.memory_space<vmem>> -> memref<1x128xi32, #tpu.memory_space<vmem>>
    %dma_wait3A_569 = tpu.memref_squeeze %dma_wait3A_568 : memref<1x128xi32, #tpu.memory_space<vmem>> -> memref<128xi32, #tpu.memory_space<vmem>>
    %dma_wait3A_570 = arith.constant 0 : i32
    %dma_wait3A_571 = arith.constant 0 : i32
    %dma_wait3A_572 = tpu.memref_slice %arg2[%dma_wait3A_570, %dma_wait3A_571] : memref<131072x16xf32, #tpu.memory_space<hbm>> -> memref<131072x16xf32, #tpu.memory_space<hbm>>
    tpu.wait_indirect_dma semaphore(%arg9 : memref<!tpu.dma_semaphore, #tpu.memory_space<semaphore_mem>>) src(%dma_wait3A_572 : memref<131072x16xf32, #tpu.memory_space<hbm>>) dst(%dma_wait3A_566 : memref<128x16xf32, #tpu.memory_space<vmem>>)
    %dma_wait3A_573 = arith.constant 25 : i32
    %dma_wait3A_574 = arith.constant 3200 : i32
    %dma_wait3A_575 = arith.constant 0 : i32
    %dma_wait3A_576 = tpu.memref_slice %arg7[%dma_wait3A_574, %dma_wait3A_575] : memref<4096x16xf32, #tpu.memory_space<vmem>> -> memref<128x16xf32, #tpu.memory_space<vmem>>
    %dma_wait3A_577 = arith.constant 0 : i32
    %dma_wait3A_578 = tpu.memref_slice %arg6[%dma_wait3A_573, %dma_wait3A_577] : memref<32x128xi32, #tpu.memory_space<vmem>> -> memref<1x128xi32, #tpu.memory_space<vmem>>
    %dma_wait3A_579 = tpu.memref_squeeze %dma_wait3A_578 : memref<1x128xi32, #tpu.memory_space<vmem>> -> memref<128xi32, #tpu.memory_space<vmem>>
    %dma_wait3A_580 = arith.constant 0 : i32
    %dma_wait3A_581 = arith.constant 0 : i32
    %dma_wait3A_582 = tpu.memref_slice %arg2[%dma_wait3A_580, %dma_wait3A_581] : memref<131072x16xf32, #tpu.memory_space<hbm>> -> memref<131072x16xf32, #tpu.memory_space<hbm>>
    tpu.wait_indirect_dma semaphore(%arg9 : memref<!tpu.dma_semaphore, #tpu.memory_space<semaphore_mem>>) src(%dma_wait3A_582 : memref<131072x16xf32, #tpu.memory_space<hbm>>) dst(%dma_wait3A_576 : memref<128x16xf32, #tpu.memory_space<vmem>>)
    %dma_wait3A_583 = arith.constant 26 : i32
    %dma_wait3A_584 = arith.constant 3328 : i32
    %dma_wait3A_585 = arith.constant 0 : i32
    %dma_wait3A_586 = tpu.memref_slice %arg7[%dma_wait3A_584, %dma_wait3A_585] : memref<4096x16xf32, #tpu.memory_space<vmem>> -> memref<128x16xf32, #tpu.memory_space<vmem>>
    %dma_wait3A_587 = arith.constant 0 : i32
    %dma_wait3A_588 = tpu.memref_slice %arg6[%dma_wait3A_583, %dma_wait3A_587] : memref<32x128xi32, #tpu.memory_space<vmem>> -> memref<1x128xi32, #tpu.memory_space<vmem>>
    %dma_wait3A_589 = tpu.memref_squeeze %dma_wait3A_588 : memref<1x128xi32, #tpu.memory_space<vmem>> -> memref<128xi32, #tpu.memory_space<vmem>>
    %dma_wait3A_590 = arith.constant 0 : i32
    %dma_wait3A_591 = arith.constant 0 : i32
    %dma_wait3A_592 = tpu.memref_slice %arg2[%dma_wait3A_590, %dma_wait3A_591] : memref<131072x16xf32, #tpu.memory_space<hbm>> -> memref<131072x16xf32, #tpu.memory_space<hbm>>
    tpu.wait_indirect_dma semaphore(%arg9 : memref<!tpu.dma_semaphore, #tpu.memory_space<semaphore_mem>>) src(%dma_wait3A_592 : memref<131072x16xf32, #tpu.memory_space<hbm>>) dst(%dma_wait3A_586 : memref<128x16xf32, #tpu.memory_space<vmem>>)
    %dma_wait3A_593 = arith.constant 27 : i32
    %dma_wait3A_594 = arith.constant 3456 : i32
    %dma_wait3A_595 = arith.constant 0 : i32
    %dma_wait3A_596 = tpu.memref_slice %arg7[%dma_wait3A_594, %dma_wait3A_595] : memref<4096x16xf32, #tpu.memory_space<vmem>> -> memref<128x16xf32, #tpu.memory_space<vmem>>
    %dma_wait3A_597 = arith.constant 0 : i32
    %dma_wait3A_598 = tpu.memref_slice %arg6[%dma_wait3A_593, %dma_wait3A_597] : memref<32x128xi32, #tpu.memory_space<vmem>> -> memref<1x128xi32, #tpu.memory_space<vmem>>
    %dma_wait3A_599 = tpu.memref_squeeze %dma_wait3A_598 : memref<1x128xi32, #tpu.memory_space<vmem>> -> memref<128xi32, #tpu.memory_space<vmem>>
    %dma_wait3A_600 = arith.constant 0 : i32
    %dma_wait3A_601 = arith.constant 0 : i32
    %dma_wait3A_602 = tpu.memref_slice %arg2[%dma_wait3A_600, %dma_wait3A_601] : memref<131072x16xf32, #tpu.memory_space<hbm>> -> memref<131072x16xf32, #tpu.memory_space<hbm>>
    tpu.wait_indirect_dma semaphore(%arg9 : memref<!tpu.dma_semaphore, #tpu.memory_space<semaphore_mem>>) src(%dma_wait3A_602 : memref<131072x16xf32, #tpu.memory_space<hbm>>) dst(%dma_wait3A_596 : memref<128x16xf32, #tpu.memory_space<vmem>>)
    %dma_wait3A_603 = arith.constant 28 : i32
    %dma_wait3A_604 = arith.constant 3584 : i32
    %dma_wait3A_605 = arith.constant 0 : i32
    %dma_wait3A_606 = tpu.memref_slice %arg7[%dma_wait3A_604, %dma_wait3A_605] : memref<4096x16xf32, #tpu.memory_space<vmem>> -> memref<128x16xf32, #tpu.memory_space<vmem>>
    %dma_wait3A_607 = arith.constant 0 : i32
    %dma_wait3A_608 = tpu.memref_slice %arg6[%dma_wait3A_603, %dma_wait3A_607] : memref<32x128xi32, #tpu.memory_space<vmem>> -> memref<1x128xi32, #tpu.memory_space<vmem>>
    %dma_wait3A_609 = tpu.memref_squeeze %dma_wait3A_608 : memref<1x128xi32, #tpu.memory_space<vmem>> -> memref<128xi32, #tpu.memory_space<vmem>>
    %dma_wait3A_610 = arith.constant 0 : i32
    %dma_wait3A_611 = arith.constant 0 : i32
    %dma_wait3A_612 = tpu.memref_slice %arg2[%dma_wait3A_610, %dma_wait3A_611] : memref<131072x16xf32, #tpu.memory_space<hbm>> -> memref<131072x16xf32, #tpu.memory_space<hbm>>
    tpu.wait_indirect_dma semaphore(%arg9 : memref<!tpu.dma_semaphore, #tpu.memory_space<semaphore_mem>>) src(%dma_wait3A_612 : memref<131072x16xf32, #tpu.memory_space<hbm>>) dst(%dma_wait3A_606 : memref<128x16xf32, #tpu.memory_space<vmem>>)
    %dma_wait3A_613 = arith.constant 29 : i32
    %dma_wait3A_614 = arith.constant 3712 : i32
    %dma_wait3A_615 = arith.constant 0 : i32
    %dma_wait3A_616 = tpu.memref_slice %arg7[%dma_wait3A_614, %dma_wait3A_615] : memref<4096x16xf32, #tpu.memory_space<vmem>> -> memref<128x16xf32, #tpu.memory_space<vmem>>
    %dma_wait3A_617 = arith.constant 0 : i32
    %dma_wait3A_618 = tpu.memref_slice %arg6[%dma_wait3A_613, %dma_wait3A_617] : memref<32x128xi32, #tpu.memory_space<vmem>> -> memref<1x128xi32, #tpu.memory_space<vmem>>
    %dma_wait3A_619 = tpu.memref_squeeze %dma_wait3A_618 : memref<1x128xi32, #tpu.memory_space<vmem>> -> memref<128xi32, #tpu.memory_space<vmem>>
    %dma_wait3A_620 = arith.constant 0 : i32
    %dma_wait3A_621 = arith.constant 0 : i32
    %dma_wait3A_622 = tpu.memref_slice %arg2[%dma_wait3A_620, %dma_wait3A_621] : memref<131072x16xf32, #tpu.memory_space<hbm>> -> memref<131072x16xf32, #tpu.memory_space<hbm>>
    tpu.wait_indirect_dma semaphore(%arg9 : memref<!tpu.dma_semaphore, #tpu.memory_space<semaphore_mem>>) src(%dma_wait3A_622 : memref<131072x16xf32, #tpu.memory_space<hbm>>) dst(%dma_wait3A_616 : memref<128x16xf32, #tpu.memory_space<vmem>>)
    %dma_wait3A_623 = arith.constant 30 : i32
    %dma_wait3A_624 = arith.constant 3840 : i32
    %dma_wait3A_625 = arith.constant 0 : i32
    %dma_wait3A_626 = tpu.memref_slice %arg7[%dma_wait3A_624, %dma_wait3A_625] : memref<4096x16xf32, #tpu.memory_space<vmem>> -> memref<128x16xf32, #tpu.memory_space<vmem>>
    %dma_wait3A_627 = arith.constant 0 : i32
    %dma_wait3A_628 = tpu.memref_slice %arg6[%dma_wait3A_623, %dma_wait3A_627] : memref<32x128xi32, #tpu.memory_space<vmem>> -> memref<1x128xi32, #tpu.memory_space<vmem>>
    %dma_wait3A_629 = tpu.memref_squeeze %dma_wait3A_628 : memref<1x128xi32, #tpu.memory_space<vmem>> -> memref<128xi32, #tpu.memory_space<vmem>>
    %dma_wait3A_630 = arith.constant 0 : i32
    %dma_wait3A_631 = arith.constant 0 : i32
    %dma_wait3A_632 = tpu.memref_slice %arg2[%dma_wait3A_630, %dma_wait3A_631] : memref<131072x16xf32, #tpu.memory_space<hbm>> -> memref<131072x16xf32, #tpu.memory_space<hbm>>
    tpu.wait_indirect_dma semaphore(%arg9 : memref<!tpu.dma_semaphore, #tpu.memory_space<semaphore_mem>>) src(%dma_wait3A_632 : memref<131072x16xf32, #tpu.memory_space<hbm>>) dst(%dma_wait3A_626 : memref<128x16xf32, #tpu.memory_space<vmem>>)
    %dma_wait3A_633 = arith.constant 31 : i32
    %dma_wait3A_634 = arith.constant 3968 : i32
    %dma_wait3A_635 = arith.constant 0 : i32
    %dma_wait3A_636 = tpu.memref_slice %arg7[%dma_wait3A_634, %dma_wait3A_635] : memref<4096x16xf32, #tpu.memory_space<vmem>> -> memref<128x16xf32, #tpu.memory_space<vmem>>
    %dma_wait3A_637 = arith.constant 0 : i32
    %dma_wait3A_638 = tpu.memref_slice %arg6[%dma_wait3A_633, %dma_wait3A_637] : memref<32x128xi32, #tpu.memory_space<vmem>> -> memref<1x128xi32, #tpu.memory_space<vmem>>
    %dma_wait3A_639 = tpu.memref_squeeze %dma_wait3A_638 : memref<1x128xi32, #tpu.memory_space<vmem>> -> memref<128xi32, #tpu.memory_space<vmem>>
    %dma_wait3A_640 = arith.constant 0 : i32
    %dma_wait3A_641 = arith.constant 0 : i32
    %dma_wait3A_642 = tpu.memref_slice %arg2[%dma_wait3A_640, %dma_wait3A_641] : memref<131072x16xf32, #tpu.memory_space<hbm>> -> memref<131072x16xf32, #tpu.memory_space<hbm>>
    tpu.wait_indirect_dma semaphore(%arg9 : memref<!tpu.dma_semaphore, #tpu.memory_space<semaphore_mem>>) src(%dma_wait3A_642 : memref<131072x16xf32, #tpu.memory_space<hbm>>) dst(%dma_wait3A_636 : memref<128x16xf32, #tpu.memory_space<vmem>>)
    %mul3A_643 = arith.constant 128 : i32
    %mul3A_644 = arith.muli %add3A, %mul3A_643 : i32
    "tpu.region"() ({
      %run_scoped3A = tpu.sem_alloc : memref<!tpu.dma_semaphore, #tpu.memory_space<semaphore_mem>>
      %dma_start3A_651 = arith.constant 0 : i32
      %dma_start3A_652 = tpu.memref_slice %arg3[%mul3A_644, %dma_start3A_651] : memref<4096x16xf32, #tpu.memory_space<hbm>> -> memref<128x16xf32, #tpu.memory_space<hbm>>
      %dma_start3A_653 = arith.constant 0 : i32
      %dma_start3A_654 = tpu.memref_slice %arg3[%mul3A_644, %dma_start3A_653] : memref<4096x16xf32, #tpu.memory_space<hbm>> -> memref<128x16xf32, #tpu.memory_space<hbm>>
      tpu.enqueue_dma source(%dma_start3A_654 : memref<128x16xf32, #tpu.memory_space<hbm>>) target(%arg8 : memref<128x16xf32, #tpu.memory_space<vmem>>) target_semaphore(%run_scoped3A : memref<!tpu.dma_semaphore, #tpu.memory_space<semaphore_mem>>)
      %dma_wait3A_655 = arith.constant 0 : i32
      %dma_wait3A_656 = tpu.memref_slice %arg3[%mul3A_644, %dma_wait3A_655] : memref<4096x16xf32, #tpu.memory_space<hbm>> -> memref<128x16xf32, #tpu.memory_space<hbm>>
      %dma_wait3A_657 = arith.constant 0 : i32
      %dma_wait3A_658 = tpu.memref_slice %arg3[%mul3A_644, %dma_wait3A_657] : memref<4096x16xf32, #tpu.memory_space<hbm>> -> memref<128x16xf32, #tpu.memory_space<hbm>>
      tpu.wait_dma2 semaphore(%run_scoped3A : memref<!tpu.dma_semaphore, #tpu.memory_space<semaphore_mem>>) src(%dma_wait3A_658 : memref<128x16xf32, #tpu.memory_space<hbm>>) dst(%arg8 : memref<128x16xf32, #tpu.memory_space<vmem>>)
      tpu.yield
    }) : () -> ()
    %scan3A = arith.constant 0 : i32
    %scan3A_645 = arith.constant 0 : i32
    %scan3A_646 = arith.constant 128 : i32
    %scan3A_647 = arith.addi %scan3A_645, %scan3A_646 : i32
    %scan3A_648 = arith.constant 1 : i32
    %scan3A_649 = scf.for %scan3A_651 = %scan3A_645 to %scan3A_647 step %scan3A_648 iter_args(%scan3A_652 = %scan3A) -> (i32)  : i32 {
      %get3A = arith.index_cast %scan3A_651 : i32 to index
      %get3A_653 = arith.constant 0 : index
      %get3A_654 = tpu.vector_load %arg8[%get3A, %get3A_653] {strides = array<i32>} : memref<128x16xf32, #tpu.memory_space<vmem>>, vector<1x16xf32>,
      %get3A_655 = vector.shape_cast %get3A_654 : vector<1x16xf32> to vector<16xf32>
      %mul3A_656 = arith.constant 32 : i32
      %mul3A_657 = arith.muli %scan3A_651, %mul3A_656 : i32
      %add3A_658 = arith.constant 0 : i32
      %add3A_659 = arith.addi %mul3A_657, %add3A_658 : i32
      %get3A_660 = arith.index_cast %add3A_659 : i32 to index
      %get3A_661 = arith.constant 0 : index
      %get3A_662 = tpu.vector_load %arg7[%get3A_660, %get3A_661] {strides = array<i32>} : memref<4096x16xf32, #tpu.memory_space<vmem>>, vector<1x16xf32>,
      %get3A_663 = vector.shape_cast %get3A_662 : vector<1x16xf32> to vector<16xf32>
      %sub3A = arith.subf %get3A_663, %get3A_655 : vector<16xf32>
      %swap3A = arith.index_cast %add3A_659 : i32 to index
      %swap3A_664 = arith.constant 0 : index
      %swap3A_665 = tpu.vector_load %arg7[%swap3A, %swap3A_664] {strides = array<i32>} : memref<4096x16xf32, #tpu.memory_space<vmem>>, vector<1x16xf32>,
      %swap3A_666 = vector.shape_cast %swap3A_665 : vector<1x16xf32> to vector<16xf32>
      %swap3A_667 = vector.shape_cast %sub3A : vector<16xf32> to vector<1x16xf32>
      tpu.vector_store %arg7[%swap3A, %swap3A_664], %swap3A_667 {strides = array<i32>} : memref<4096x16xf32, #tpu.memory_space<vmem>>, vector<1x16xf32>,
      %mul3A_668 = arith.constant 32 : i32
      %mul3A_669 = arith.muli %scan3A_651, %mul3A_668 : i32
      %add3A_670 = arith.constant 1 : i32
      %add3A_671 = arith.addi %mul3A_669, %add3A_670 : i32
      %get3A_672 = arith.index_cast %add3A_671 : i32 to index
      %get3A_673 = arith.constant 0 : index
      %get3A_674 = tpu.vector_load %arg7[%get3A_672, %get3A_673] {strides = array<i32>} : memref<4096x16xf32, #tpu.memory_space<vmem>>, vector<1x16xf32>,
      %get3A_675 = vector.shape_cast %get3A_674 : vector<1x16xf32> to vector<16xf32>
      %sub3A_676 = arith.subf %get3A_675, %get3A_655 : vector<16xf32>
      %swap3A_677 = arith.index_cast %add3A_671 : i32 to index
      %swap3A_678 = arith.constant 0 : index
      %swap3A_679 = tpu.vector_load %arg7[%swap3A_677, %swap3A_678] {strides = array<i32>} : memref<4096x16xf32, #tpu.memory_space<vmem>>, vector<1x16xf32>,
      %swap3A_680 = vector.shape_cast %swap3A_679 : vector<1x16xf32> to vector<16xf32>
      %swap3A_681 = vector.shape_cast %sub3A_676 : vector<16xf32> to vector<1x16xf32>
      tpu.vector_store %arg7[%swap3A_677, %swap3A_678], %swap3A_681 {strides = array<i32>} : memref<4096x16xf32, #tpu.memory_space<vmem>>, vector<1x16xf32>,
      %mul3A_682 = arith.constant 32 : i32
      %mul3A_683 = arith.muli %scan3A_651, %mul3A_682 : i32
      %add3A_684 = arith.constant 2 : i32
      %add3A_685 = arith.addi %mul3A_683, %add3A_684 : i32
      %get3A_686 = arith.index_cast %add3A_685 : i32 to index
      %get3A_687 = arith.constant 0 : index
      %get3A_688 = tpu.vector_load %arg7[%get3A_686, %get3A_687] {strides = array<i32>} : memref<4096x16xf32, #tpu.memory_space<vmem>>, vector<1x16xf32>,
      %get3A_689 = vector.shape_cast %get3A_688 : vector<1x16xf32> to vector<16xf32>
      %sub3A_690 = arith.subf %get3A_689, %get3A_655 : vector<16xf32>
      %swap3A_691 = arith.index_cast %add3A_685 : i32 to index
      %swap3A_692 = arith.constant 0 : index
      %swap3A_693 = tpu.vector_load %arg7[%swap3A_691, %swap3A_692] {strides = array<i32>} : memref<4096x16xf32, #tpu.memory_space<vmem>>, vector<1x16xf32>,
      %swap3A_694 = vector.shape_cast %swap3A_693 : vector<1x16xf32> to vector<16xf32>
      %swap3A_695 = vector.shape_cast %sub3A_690 : vector<16xf32> to vector<1x16xf32>
      tpu.vector_store %arg7[%swap3A_691, %swap3A_692], %swap3A_695 {strides = array<i32>} : memref<4096x16xf32, #tpu.memory_space<vmem>>, vector<1x16xf32>,
      %mul3A_696 = arith.constant 32 : i32
      %mul3A_697 = arith.muli %scan3A_651, %mul3A_696 : i32
      %add3A_698 = arith.constant 3 : i32
      %add3A_699 = arith.addi %mul3A_697, %add3A_698 : i32
      %get3A_700 = arith.index_cast %add3A_699 : i32 to index
      %get3A_701 = arith.constant 0 : index
      %get3A_702 = tpu.vector_load %arg7[%get3A_700, %get3A_701] {strides = array<i32>} : memref<4096x16xf32, #tpu.memory_space<vmem>>, vector<1x16xf32>,
      %get3A_703 = vector.shape_cast %get3A_702 : vector<1x16xf32> to vector<16xf32>
      %sub3A_704 = arith.subf %get3A_703, %get3A_655 : vector<16xf32>
      %swap3A_705 = arith.index_cast %add3A_699 : i32 to index
      %swap3A_706 = arith.constant 0 : index
      %swap3A_707 = tpu.vector_load %arg7[%swap3A_705, %swap3A_706] {strides = array<i32>} : memref<4096x16xf32, #tpu.memory_space<vmem>>, vector<1x16xf32>,
      %swap3A_708 = vector.shape_cast %swap3A_707 : vector<1x16xf32> to vector<16xf32>
      %swap3A_709 = vector.shape_cast %sub3A_704 : vector<16xf32> to vector<1x16xf32>
      tpu.vector_store %arg7[%swap3A_705, %swap3A_706], %swap3A_709 {strides = array<i32>} : memref<4096x16xf32, #tpu.memory_space<vmem>>, vector<1x16xf32>,
      %mul3A_710 = arith.constant 32 : i32
      %mul3A_711 = arith.muli %scan3A_651, %mul3A_710 : i32
      %add3A_712 = arith.constant 4 : i32
      %add3A_713 = arith.addi %mul3A_711, %add3A_712 : i32
      %get3A_714 = arith.index_cast %add3A_713 : i32 to index
      %get3A_715 = arith.constant 0 : index
      %get3A_716 = tpu.vector_load %arg7[%get3A_714, %get3A_715] {strides = array<i32>} : memref<4096x16xf32, #tpu.memory_space<vmem>>, vector<1x16xf32>,
      %get3A_717 = vector.shape_cast %get3A_716 : vector<1x16xf32> to vector<16xf32>
      %sub3A_718 = arith.subf %get3A_717, %get3A_655 : vector<16xf32>
      %swap3A_719 = arith.index_cast %add3A_713 : i32 to index
      %swap3A_720 = arith.constant 0 : index
      %swap3A_721 = tpu.vector_load %arg7[%swap3A_719, %swap3A_720] {strides = array<i32>} : memref<4096x16xf32, #tpu.memory_space<vmem>>, vector<1x16xf32>,
      %swap3A_722 = vector.shape_cast %swap3A_721 : vector<1x16xf32> to vector<16xf32>
      %swap3A_723 = vector.shape_cast %sub3A_718 : vector<16xf32> to vector<1x16xf32>
      tpu.vector_store %arg7[%swap3A_719, %swap3A_720], %swap3A_723 {strides = array<i32>} : memref<4096x16xf32, #tpu.memory_space<vmem>>, vector<1x16xf32>,
      %mul3A_724 = arith.constant 32 : i32
      %mul3A_725 = arith.muli %scan3A_651, %mul3A_724 : i32
      %add3A_726 = arith.constant 5 : i32
      %add3A_727 = arith.addi %mul3A_725, %add3A_726 : i32
      %get3A_728 = arith.index_cast %add3A_727 : i32 to index
      %get3A_729 = arith.constant 0 : index
      %get3A_730 = tpu.vector_load %arg7[%get3A_728, %get3A_729] {strides = array<i32>} : memref<4096x16xf32, #tpu.memory_space<vmem>>, vector<1x16xf32>,
      %get3A_731 = vector.shape_cast %get3A_730 : vector<1x16xf32> to vector<16xf32>
      %sub3A_732 = arith.subf %get3A_731, %get3A_655 : vector<16xf32>
      %swap3A_733 = arith.index_cast %add3A_727 : i32 to index
      %swap3A_734 = arith.constant 0 : index
      %swap3A_735 = tpu.vector_load %arg7[%swap3A_733, %swap3A_734] {strides = array<i32>} : memref<4096x16xf32, #tpu.memory_space<vmem>>, vector<1x16xf32>,
      %swap3A_736 = vector.shape_cast %swap3A_735 : vector<1x16xf32> to vector<16xf32>
      %swap3A_737 = vector.shape_cast %sub3A_732 : vector<16xf32> to vector<1x16xf32>
      tpu.vector_store %arg7[%swap3A_733, %swap3A_734], %swap3A_737 {strides = array<i32>} : memref<4096x16xf32, #tpu.memory_space<vmem>>, vector<1x16xf32>,
      %mul3A_738 = arith.constant 32 : i32
      %mul3A_739 = arith.muli %scan3A_651, %mul3A_738 : i32
      %add3A_740 = arith.constant 6 : i32
      %add3A_741 = arith.addi %mul3A_739, %add3A_740 : i32
      %get3A_742 = arith.index_cast %add3A_741 : i32 to index
      %get3A_743 = arith.constant 0 : index
      %get3A_744 = tpu.vector_load %arg7[%get3A_742, %get3A_743] {strides = array<i32>} : memref<4096x16xf32, #tpu.memory_space<vmem>>, vector<1x16xf32>,
      %get3A_745 = vector.shape_cast %get3A_744 : vector<1x16xf32> to vector<16xf32>
      %sub3A_746 = arith.subf %get3A_745, %get3A_655 : vector<16xf32>
      %swap3A_747 = arith.index_cast %add3A_741 : i32 to index
      %swap3A_748 = arith.constant 0 : index
      %swap3A_749 = tpu.vector_load %arg7[%swap3A_747, %swap3A_748] {strides = array<i32>} : memref<4096x16xf32, #tpu.memory_space<vmem>>, vector<1x16xf32>,
      %swap3A_750 = vector.shape_cast %swap3A_749 : vector<1x16xf32> to vector<16xf32>
      %swap3A_751 = vector.shape_cast %sub3A_746 : vector<16xf32> to vector<1x16xf32>
      tpu.vector_store %arg7[%swap3A_747, %swap3A_748], %swap3A_751 {strides = array<i32>} : memref<4096x16xf32, #tpu.memory_space<vmem>>, vector<1x16xf32>,
      %mul3A_752 = arith.constant 32 : i32
      %mul3A_753 = arith.muli %scan3A_651, %mul3A_752 : i32
      %add3A_754 = arith.constant 7 : i32
      %add3A_755 = arith.addi %mul3A_753, %add3A_754 : i32
      %get3A_756 = arith.index_cast %add3A_755 : i32 to index
      %get3A_757 = arith.constant 0 : index
      %get3A_758 = tpu.vector_load %arg7[%get3A_756, %get3A_757] {strides = array<i32>} : memref<4096x16xf32, #tpu.memory_space<vmem>>, vector<1x16xf32>,
      %get3A_759 = vector.shape_cast %get3A_758 : vector<1x16xf32> to vector<16xf32>
      %sub3A_760 = arith.subf %get3A_759, %get3A_655 : vector<16xf32>
      %swap3A_761 = arith.index_cast %add3A_755 : i32 to index
      %swap3A_762 = arith.constant 0 : index
      %swap3A_763 = tpu.vector_load %arg7[%swap3A_761, %swap3A_762] {strides = array<i32>} : memref<4096x16xf32, #tpu.memory_space<vmem>>, vector<1x16xf32>,
      %swap3A_764 = vector.shape_cast %swap3A_763 : vector<1x16xf32> to vector<16xf32>
      %swap3A_765 = vector.shape_cast %sub3A_760 : vector<16xf32> to vector<1x16xf32>
      tpu.vector_store %arg7[%swap3A_761, %swap3A_762], %swap3A_765 {strides = array<i32>} : memref<4096x16xf32, #tpu.memory_space<vmem>>, vector<1x16xf32>,
      %mul3A_766 = arith.constant 32 : i32
      %mul3A_767 = arith.muli %scan3A_651, %mul3A_766 : i32
      %add3A_768 = arith.constant 8 : i32
      %add3A_769 = arith.addi %mul3A_767, %add3A_768 : i32
      %get3A_770 = arith.index_cast %add3A_769 : i32 to index
      %get3A_771 = arith.constant 0 : index
      %get3A_772 = tpu.vector_load %arg7[%get3A_770, %get3A_771] {strides = array<i32>} : memref<4096x16xf32, #tpu.memory_space<vmem>>, vector<1x16xf32>,
      %get3A_773 = vector.shape_cast %get3A_772 : vector<1x16xf32> to vector<16xf32>
      %sub3A_774 = arith.subf %get3A_773, %get3A_655 : vector<16xf32>
      %swap3A_775 = arith.index_cast %add3A_769 : i32 to index
      %swap3A_776 = arith.constant 0 : index
      %swap3A_777 = tpu.vector_load %arg7[%swap3A_775, %swap3A_776] {strides = array<i32>} : memref<4096x16xf32, #tpu.memory_space<vmem>>, vector<1x16xf32>,
      %swap3A_778 = vector.shape_cast %swap3A_777 : vector<1x16xf32> to vector<16xf32>
      %swap3A_779 = vector.shape_cast %sub3A_774 : vector<16xf32> to vector<1x16xf32>
      tpu.vector_store %arg7[%swap3A_775, %swap3A_776], %swap3A_779 {strides = array<i32>} : memref<4096x16xf32, #tpu.memory_space<vmem>>, vector<1x16xf32>,
      %mul3A_780 = arith.constant 32 : i32
      %mul3A_781 = arith.muli %scan3A_651, %mul3A_780 : i32
      %add3A_782 = arith.constant 9 : i32
      %add3A_783 = arith.addi %mul3A_781, %add3A_782 : i32
      %get3A_784 = arith.index_cast %add3A_783 : i32 to index
      %get3A_785 = arith.constant 0 : index
      %get3A_786 = tpu.vector_load %arg7[%get3A_784, %get3A_785] {strides = array<i32>} : memref<4096x16xf32, #tpu.memory_space<vmem>>, vector<1x16xf32>,
      %get3A_787 = vector.shape_cast %get3A_786 : vector<1x16xf32> to vector<16xf32>
      %sub3A_788 = arith.subf %get3A_787, %get3A_655 : vector<16xf32>
      %swap3A_789 = arith.index_cast %add3A_783 : i32 to index
      %swap3A_790 = arith.constant 0 : index
      %swap3A_791 = tpu.vector_load %arg7[%swap3A_789, %swap3A_790] {strides = array<i32>} : memref<4096x16xf32, #tpu.memory_space<vmem>>, vector<1x16xf32>,
      %swap3A_792 = vector.shape_cast %swap3A_791 : vector<1x16xf32> to vector<16xf32>
      %swap3A_793 = vector.shape_cast %sub3A_788 : vector<16xf32> to vector<1x16xf32>
      tpu.vector_store %arg7[%swap3A_789, %swap3A_790], %swap3A_793 {strides = array<i32>} : memref<4096x16xf32, #tpu.memory_space<vmem>>, vector<1x16xf32>,
      %mul3A_794 = arith.constant 32 : i32
      %mul3A_795 = arith.muli %scan3A_651, %mul3A_794 : i32
      %add3A_796 = arith.constant 10 : i32
      %add3A_797 = arith.addi %mul3A_795, %add3A_796 : i32
      %get3A_798 = arith.index_cast %add3A_797 : i32 to index
      %get3A_799 = arith.constant 0 : index
      %get3A_800 = tpu.vector_load %arg7[%get3A_798, %get3A_799] {strides = array<i32>} : memref<4096x16xf32, #tpu.memory_space<vmem>>, vector<1x16xf32>,
      %get3A_801 = vector.shape_cast %get3A_800 : vector<1x16xf32> to vector<16xf32>
      %sub3A_802 = arith.subf %get3A_801, %get3A_655 : vector<16xf32>
      %swap3A_803 = arith.index_cast %add3A_797 : i32 to index
      %swap3A_804 = arith.constant 0 : index
      %swap3A_805 = tpu.vector_load %arg7[%swap3A_803, %swap3A_804] {strides = array<i32>} : memref<4096x16xf32, #tpu.memory_space<vmem>>, vector<1x16xf32>,
      %swap3A_806 = vector.shape_cast %swap3A_805 : vector<1x16xf32> to vector<16xf32>
      %swap3A_807 = vector.shape_cast %sub3A_802 : vector<16xf32> to vector<1x16xf32>
      tpu.vector_store %arg7[%swap3A_803, %swap3A_804], %swap3A_807 {strides = array<i32>} : memref<4096x16xf32, #tpu.memory_space<vmem>>, vector<1x16xf32>,
      %mul3A_808 = arith.constant 32 : i32
      %mul3A_809 = arith.muli %scan3A_651, %mul3A_808 : i32
      %add3A_810 = arith.constant 11 : i32
      %add3A_811 = arith.addi %mul3A_809, %add3A_810 : i32
      %get3A_812 = arith.index_cast %add3A_811 : i32 to index
      %get3A_813 = arith.constant 0 : index
      %get3A_814 = tpu.vector_load %arg7[%get3A_812, %get3A_813] {strides = array<i32>} : memref<4096x16xf32, #tpu.memory_space<vmem>>, vector<1x16xf32>,
      %get3A_815 = vector.shape_cast %get3A_814 : vector<1x16xf32> to vector<16xf32>
      %sub3A_816 = arith.subf %get3A_815, %get3A_655 : vector<16xf32>
      %swap3A_817 = arith.index_cast %add3A_811 : i32 to index
      %swap3A_818 = arith.constant 0 : index
      %swap3A_819 = tpu.vector_load %arg7[%swap3A_817, %swap3A_818] {strides = array<i32>} : memref<4096x16xf32, #tpu.memory_space<vmem>>, vector<1x16xf32>,
      %swap3A_820 = vector.shape_cast %swap3A_819 : vector<1x16xf32> to vector<16xf32>
      %swap3A_821 = vector.shape_cast %sub3A_816 : vector<16xf32> to vector<1x16xf32>
      tpu.vector_store %arg7[%swap3A_817, %swap3A_818], %swap3A_821 {strides = array<i32>} : memref<4096x16xf32, #tpu.memory_space<vmem>>, vector<1x16xf32>,
      %mul3A_822 = arith.constant 32 : i32
      %mul3A_823 = arith.muli %scan3A_651, %mul3A_822 : i32
      %add3A_824 = arith.constant 12 : i32
      %add3A_825 = arith.addi %mul3A_823, %add3A_824 : i32
      %get3A_826 = arith.index_cast %add3A_825 : i32 to index
      %get3A_827 = arith.constant 0 : index
      %get3A_828 = tpu.vector_load %arg7[%get3A_826, %get3A_827] {strides = array<i32>} : memref<4096x16xf32, #tpu.memory_space<vmem>>, vector<1x16xf32>,
      %get3A_829 = vector.shape_cast %get3A_828 : vector<1x16xf32> to vector<16xf32>
      %sub3A_830 = arith.subf %get3A_829, %get3A_655 : vector<16xf32>
      %swap3A_831 = arith.index_cast %add3A_825 : i32 to index
      %swap3A_832 = arith.constant 0 : index
      %swap3A_833 = tpu.vector_load %arg7[%swap3A_831, %swap3A_832] {strides = array<i32>} : memref<4096x16xf32, #tpu.memory_space<vmem>>, vector<1x16xf32>,
      %swap3A_834 = vector.shape_cast %swap3A_833 : vector<1x16xf32> to vector<16xf32>
      %swap3A_835 = vector.shape_cast %sub3A_830 : vector<16xf32> to vector<1x16xf32>
      tpu.vector_store %arg7[%swap3A_831, %swap3A_832], %swap3A_835 {strides = array<i32>} : memref<4096x16xf32, #tpu.memory_space<vmem>>, vector<1x16xf32>,
      %mul3A_836 = arith.constant 32 : i32
      %mul3A_837 = arith.muli %scan3A_651, %mul3A_836 : i32
      %add3A_838 = arith.constant 13 : i32
      %add3A_839 = arith.addi %mul3A_837, %add3A_838 : i32
      %get3A_840 = arith.index_cast %add3A_839 : i32 to index
      %get3A_841 = arith.constant 0 : index
      %get3A_842 = tpu.vector_load %arg7[%get3A_840, %get3A_841] {strides = array<i32>} : memref<4096x16xf32, #tpu.memory_space<vmem>>, vector<1x16xf32>,
      %get3A_843 = vector.shape_cast %get3A_842 : vector<1x16xf32> to vector<16xf32>
      %sub3A_844 = arith.subf %get3A_843, %get3A_655 : vector<16xf32>
      %swap3A_845 = arith.index_cast %add3A_839 : i32 to index
      %swap3A_846 = arith.constant 0 : index
      %swap3A_847 = tpu.vector_load %arg7[%swap3A_845, %swap3A_846] {strides = array<i32>} : memref<4096x16xf32, #tpu.memory_space<vmem>>, vector<1x16xf32>,
      %swap3A_848 = vector.shape_cast %swap3A_847 : vector<1x16xf32> to vector<16xf32>
      %swap3A_849 = vector.shape_cast %sub3A_844 : vector<16xf32> to vector<1x16xf32>
      tpu.vector_store %arg7[%swap3A_845, %swap3A_846], %swap3A_849 {strides = array<i32>} : memref<4096x16xf32, #tpu.memory_space<vmem>>, vector<1x16xf32>,
      %mul3A_850 = arith.constant 32 : i32
      %mul3A_851 = arith.muli %scan3A_651, %mul3A_850 : i32
      %add3A_852 = arith.constant 14 : i32
      %add3A_853 = arith.addi %mul3A_851, %add3A_852 : i32
      %get3A_854 = arith.index_cast %add3A_853 : i32 to index
      %get3A_855 = arith.constant 0 : index
      %get3A_856 = tpu.vector_load %arg7[%get3A_854, %get3A_855] {strides = array<i32>} : memref<4096x16xf32, #tpu.memory_space<vmem>>, vector<1x16xf32>,
      %get3A_857 = vector.shape_cast %get3A_856 : vector<1x16xf32> to vector<16xf32>
      %sub3A_858 = arith.subf %get3A_857, %get3A_655 : vector<16xf32>
      %swap3A_859 = arith.index_cast %add3A_853 : i32 to index
      %swap3A_860 = arith.constant 0 : index
      %swap3A_861 = tpu.vector_load %arg7[%swap3A_859, %swap3A_860] {strides = array<i32>} : memref<4096x16xf32, #tpu.memory_space<vmem>>, vector<1x16xf32>,
      %swap3A_862 = vector.shape_cast %swap3A_861 : vector<1x16xf32> to vector<16xf32>
      %swap3A_863 = vector.shape_cast %sub3A_858 : vector<16xf32> to vector<1x16xf32>
      tpu.vector_store %arg7[%swap3A_859, %swap3A_860], %swap3A_863 {strides = array<i32>} : memref<4096x16xf32, #tpu.memory_space<vmem>>, vector<1x16xf32>,
      %mul3A_864 = arith.constant 32 : i32
      %mul3A_865 = arith.muli %scan3A_651, %mul3A_864 : i32
      %add3A_866 = arith.constant 15 : i32
      %add3A_867 = arith.addi %mul3A_865, %add3A_866 : i32
      %get3A_868 = arith.index_cast %add3A_867 : i32 to index
      %get3A_869 = arith.constant 0 : index
      %get3A_870 = tpu.vector_load %arg7[%get3A_868, %get3A_869] {strides = array<i32>} : memref<4096x16xf32, #tpu.memory_space<vmem>>, vector<1x16xf32>,
      %get3A_871 = vector.shape_cast %get3A_870 : vector<1x16xf32> to vector<16xf32>
      %sub3A_872 = arith.subf %get3A_871, %get3A_655 : vector<16xf32>
      %swap3A_873 = arith.index_cast %add3A_867 : i32 to index
      %swap3A_874 = arith.constant 0 : index
      %swap3A_875 = tpu.vector_load %arg7[%swap3A_873, %swap3A_874] {strides = array<i32>} : memref<4096x16xf32, #tpu.memory_space<vmem>>, vector<1x16xf32>,
      %swap3A_876 = vector.shape_cast %swap3A_875 : vector<1x16xf32> to vector<16xf32>
      %swap3A_877 = vector.shape_cast %sub3A_872 : vector<16xf32> to vector<1x16xf32>
      tpu.vector_store %arg7[%swap3A_873, %swap3A_874], %swap3A_877 {strides = array<i32>} : memref<4096x16xf32, #tpu.memory_space<vmem>>, vector<1x16xf32>,
      %mul3A_878 = arith.constant 32 : i32
      %mul3A_879 = arith.muli %scan3A_651, %mul3A_878 : i32
      %add3A_880 = arith.constant 16 : i32
      %add3A_881 = arith.addi %mul3A_879, %add3A_880 : i32
      %get3A_882 = arith.index_cast %add3A_881 : i32 to index
      %get3A_883 = arith.constant 0 : index
      %get3A_884 = tpu.vector_load %arg7[%get3A_882, %get3A_883] {strides = array<i32>} : memref<4096x16xf32, #tpu.memory_space<vmem>>, vector<1x16xf32>,
      %get3A_885 = vector.shape_cast %get3A_884 : vector<1x16xf32> to vector<16xf32>
      %sub3A_886 = arith.subf %get3A_885, %get3A_655 : vector<16xf32>
      %swap3A_887 = arith.index_cast %add3A_881 : i32 to index
      %swap3A_888 = arith.constant 0 : index
      %swap3A_889 = tpu.vector_load %arg7[%swap3A_887, %swap3A_888] {strides = array<i32>} : memref<4096x16xf32, #tpu.memory_space<vmem>>, vector<1x16xf32>,
      %swap3A_890 = vector.shape_cast %swap3A_889 : vector<1x16xf32> to vector<16xf32>
      %swap3A_891 = vector.shape_cast %sub3A_886 : vector<16xf32> to vector<1x16xf32>
      tpu.vector_store %arg7[%swap3A_887, %swap3A_888], %swap3A_891 {strides = array<i32>} : memref<4096x16xf32, #tpu.memory_space<vmem>>, vector<1x16xf32>,
      %mul3A_892 = arith.constant 32 : i32
      %mul3A_893 = arith.muli %scan3A_651, %mul3A_892 : i32
      %add3A_894 = arith.constant 17 : i32
      %add3A_895 = arith.addi %mul3A_893, %add3A_894 : i32
      %get3A_896 = arith.index_cast %add3A_895 : i32 to index
      %get3A_897 = arith.constant 0 : index
      %get3A_898 = tpu.vector_load %arg7[%get3A_896, %get3A_897] {strides = array<i32>} : memref<4096x16xf32, #tpu.memory_space<vmem>>, vector<1x16xf32>,
      %get3A_899 = vector.shape_cast %get3A_898 : vector<1x16xf32> to vector<16xf32>
      %sub3A_900 = arith.subf %get3A_899, %get3A_655 : vector<16xf32>
      %swap3A_901 = arith.index_cast %add3A_895 : i32 to index
      %swap3A_902 = arith.constant 0 : index
      %swap3A_903 = tpu.vector_load %arg7[%swap3A_901, %swap3A_902] {strides = array<i32>} : memref<4096x16xf32, #tpu.memory_space<vmem>>, vector<1x16xf32>,
      %swap3A_904 = vector.shape_cast %swap3A_903 : vector<1x16xf32> to vector<16xf32>
      %swap3A_905 = vector.shape_cast %sub3A_900 : vector<16xf32> to vector<1x16xf32>
      tpu.vector_store %arg7[%swap3A_901, %swap3A_902], %swap3A_905 {strides = array<i32>} : memref<4096x16xf32, #tpu.memory_space<vmem>>, vector<1x16xf32>,
      %mul3A_906 = arith.constant 32 : i32
      %mul3A_907 = arith.muli %scan3A_651, %mul3A_906 : i32
      %add3A_908 = arith.constant 18 : i32
      %add3A_909 = arith.addi %mul3A_907, %add3A_908 : i32
      %get3A_910 = arith.index_cast %add3A_909 : i32 to index
      %get3A_911 = arith.constant 0 : index
      %get3A_912 = tpu.vector_load %arg7[%get3A_910, %get3A_911] {strides = array<i32>} : memref<4096x16xf32, #tpu.memory_space<vmem>>, vector<1x16xf32>,
      %get3A_913 = vector.shape_cast %get3A_912 : vector<1x16xf32> to vector<16xf32>
      %sub3A_914 = arith.subf %get3A_913, %get3A_655 : vector<16xf32>
      %swap3A_915 = arith.index_cast %add3A_909 : i32 to index
      %swap3A_916 = arith.constant 0 : index
      %swap3A_917 = tpu.vector_load %arg7[%swap3A_915, %swap3A_916] {strides = array<i32>} : memref<4096x16xf32, #tpu.memory_space<vmem>>, vector<1x16xf32>,
      %swap3A_918 = vector.shape_cast %swap3A_917 : vector<1x16xf32> to vector<16xf32>
      %swap3A_919 = vector.shape_cast %sub3A_914 : vector<16xf32> to vector<1x16xf32>
      tpu.vector_store %arg7[%swap3A_915, %swap3A_916], %swap3A_919 {strides = array<i32>} : memref<4096x16xf32, #tpu.memory_space<vmem>>, vector<1x16xf32>,
      %mul3A_920 = arith.constant 32 : i32
      %mul3A_921 = arith.muli %scan3A_651, %mul3A_920 : i32
      %add3A_922 = arith.constant 19 : i32
      %add3A_923 = arith.addi %mul3A_921, %add3A_922 : i32
      %get3A_924 = arith.index_cast %add3A_923 : i32 to index
      %get3A_925 = arith.constant 0 : index
      %get3A_926 = tpu.vector_load %arg7[%get3A_924, %get3A_925] {strides = array<i32>} : memref<4096x16xf32, #tpu.memory_space<vmem>>, vector<1x16xf32>,
      %get3A_927 = vector.shape_cast %get3A_926 : vector<1x16xf32> to vector<16xf32>
      %sub3A_928 = arith.subf %get3A_927, %get3A_655 : vector<16xf32>
      %swap3A_929 = arith.index_cast %add3A_923 : i32 to index
      %swap3A_930 = arith.constant 0 : index
      %swap3A_931 = tpu.vector_load %arg7[%swap3A_929, %swap3A_930] {strides = array<i32>} : memref<4096x16xf32, #tpu.memory_space<vmem>>, vector<1x16xf32>,
      %swap3A_932 = vector.shape_cast %swap3A_931 : vector<1x16xf32> to vector<16xf32>
      %swap3A_933 = vector.shape_cast %sub3A_928 : vector<16xf32> to vector<1x16xf32>
      tpu.vector_store %arg7[%swap3A_929, %swap3A_930], %swap3A_933 {strides = array<i32>} : memref<4096x16xf32, #tpu.memory_space<vmem>>, vector<1x16xf32>,
      %mul3A_934 = arith.constant 32 : i32
      %mul3A_935 = arith.muli %scan3A_651, %mul3A_934 : i32
      %add3A_936 = arith.constant 20 : i32
      %add3A_937 = arith.addi %mul3A_935, %add3A_936 : i32
      %get3A_938 = arith.index_cast %add3A_937 : i32 to index
      %get3A_939 = arith.constant 0 : index
      %get3A_940 = tpu.vector_load %arg7[%get3A_938, %get3A_939] {strides = array<i32>} : memref<4096x16xf32, #tpu.memory_space<vmem>>, vector<1x16xf32>,
      %get3A_941 = vector.shape_cast %get3A_940 : vector<1x16xf32> to vector<16xf32>
      %sub3A_942 = arith.subf %get3A_941, %get3A_655 : vector<16xf32>
      %swap3A_943 = arith.index_cast %add3A_937 : i32 to index
      %swap3A_944 = arith.constant 0 : index
      %swap3A_945 = tpu.vector_load %arg7[%swap3A_943, %swap3A_944] {strides = array<i32>} : memref<4096x16xf32, #tpu.memory_space<vmem>>, vector<1x16xf32>,
      %swap3A_946 = vector.shape_cast %swap3A_945 : vector<1x16xf32> to vector<16xf32>
      %swap3A_947 = vector.shape_cast %sub3A_942 : vector<16xf32> to vector<1x16xf32>
      tpu.vector_store %arg7[%swap3A_943, %swap3A_944], %swap3A_947 {strides = array<i32>} : memref<4096x16xf32, #tpu.memory_space<vmem>>, vector<1x16xf32>,
      %mul3A_948 = arith.constant 32 : i32
      %mul3A_949 = arith.muli %scan3A_651, %mul3A_948 : i32
      %add3A_950 = arith.constant 21 : i32
      %add3A_951 = arith.addi %mul3A_949, %add3A_950 : i32
      %get3A_952 = arith.index_cast %add3A_951 : i32 to index
      %get3A_953 = arith.constant 0 : index
      %get3A_954 = tpu.vector_load %arg7[%get3A_952, %get3A_953] {strides = array<i32>} : memref<4096x16xf32, #tpu.memory_space<vmem>>, vector<1x16xf32>,
      %get3A_955 = vector.shape_cast %get3A_954 : vector<1x16xf32> to vector<16xf32>
      %sub3A_956 = arith.subf %get3A_955, %get3A_655 : vector<16xf32>
      %swap3A_957 = arith.index_cast %add3A_951 : i32 to index
      %swap3A_958 = arith.constant 0 : index
      %swap3A_959 = tpu.vector_load %arg7[%swap3A_957, %swap3A_958] {strides = array<i32>} : memref<4096x16xf32, #tpu.memory_space<vmem>>, vector<1x16xf32>,
      %swap3A_960 = vector.shape_cast %swap3A_959 : vector<1x16xf32> to vector<16xf32>
      %swap3A_961 = vector.shape_cast %sub3A_956 : vector<16xf32> to vector<1x16xf32>
      tpu.vector_store %arg7[%swap3A_957, %swap3A_958], %swap3A_961 {strides = array<i32>} : memref<4096x16xf32, #tpu.memory_space<vmem>>, vector<1x16xf32>,
      %mul3A_962 = arith.constant 32 : i32
      %mul3A_963 = arith.muli %scan3A_651, %mul3A_962 : i32
      %add3A_964 = arith.constant 22 : i32
      %add3A_965 = arith.addi %mul3A_963, %add3A_964 : i32
      %get3A_966 = arith.index_cast %add3A_965 : i32 to index
      %get3A_967 = arith.constant 0 : index
      %get3A_968 = tpu.vector_load %arg7[%get3A_966, %get3A_967] {strides = array<i32>} : memref<4096x16xf32, #tpu.memory_space<vmem>>, vector<1x16xf32>,
      %get3A_969 = vector.shape_cast %get3A_968 : vector<1x16xf32> to vector<16xf32>
      %sub3A_970 = arith.subf %get3A_969, %get3A_655 : vector<16xf32>
      %swap3A_971 = arith.index_cast %add3A_965 : i32 to index
      %swap3A_972 = arith.constant 0 : index
      %swap3A_973 = tpu.vector_load %arg7[%swap3A_971, %swap3A_972] {strides = array<i32>} : memref<4096x16xf32, #tpu.memory_space<vmem>>, vector<1x16xf32>,
      %swap3A_974 = vector.shape_cast %swap3A_973 : vector<1x16xf32> to vector<16xf32>
      %swap3A_975 = vector.shape_cast %sub3A_970 : vector<16xf32> to vector<1x16xf32>
      tpu.vector_store %arg7[%swap3A_971, %swap3A_972], %swap3A_975 {strides = array<i32>} : memref<4096x16xf32, #tpu.memory_space<vmem>>, vector<1x16xf32>,
      %mul3A_976 = arith.constant 32 : i32
      %mul3A_977 = arith.muli %scan3A_651, %mul3A_976 : i32
      %add3A_978 = arith.constant 23 : i32
      %add3A_979 = arith.addi %mul3A_977, %add3A_978 : i32
      %get3A_980 = arith.index_cast %add3A_979 : i32 to index
      %get3A_981 = arith.constant 0 : index
      %get3A_982 = tpu.vector_load %arg7[%get3A_980, %get3A_981] {strides = array<i32>} : memref<4096x16xf32, #tpu.memory_space<vmem>>, vector<1x16xf32>,
      %get3A_983 = vector.shape_cast %get3A_982 : vector<1x16xf32> to vector<16xf32>
      %sub3A_984 = arith.subf %get3A_983, %get3A_655 : vector<16xf32>
      %swap3A_985 = arith.index_cast %add3A_979 : i32 to index
      %swap3A_986 = arith.constant 0 : index
      %swap3A_987 = tpu.vector_load %arg7[%swap3A_985, %swap3A_986] {strides = array<i32>} : memref<4096x16xf32, #tpu.memory_space<vmem>>, vector<1x16xf32>,
      %swap3A_988 = vector.shape_cast %swap3A_987 : vector<1x16xf32> to vector<16xf32>
      %swap3A_989 = vector.shape_cast %sub3A_984 : vector<16xf32> to vector<1x16xf32>
      tpu.vector_store %arg7[%swap3A_985, %swap3A_986], %swap3A_989 {strides = array<i32>} : memref<4096x16xf32, #tpu.memory_space<vmem>>, vector<1x16xf32>,
      %mul3A_990 = arith.constant 32 : i32
      %mul3A_991 = arith.muli %scan3A_651, %mul3A_990 : i32
      %add3A_992 = arith.constant 24 : i32
      %add3A_993 = arith.addi %mul3A_991, %add3A_992 : i32
      %get3A_994 = arith.index_cast %add3A_993 : i32 to index
      %get3A_995 = arith.constant 0 : index
      %get3A_996 = tpu.vector_load %arg7[%get3A_994, %get3A_995] {strides = array<i32>} : memref<4096x16xf32, #tpu.memory_space<vmem>>, vector<1x16xf32>,
      %get3A_997 = vector.shape_cast %get3A_996 : vector<1x16xf32> to vector<16xf32>
      %sub3A_998 = arith.subf %get3A_997, %get3A_655 : vector<16xf32>
      %swap3A_999 = arith.index_cast %add3A_993 : i32 to index
      %swap3A_1000 = arith.constant 0 : index
      %swap3A_1001 = tpu.vector_load %arg7[%swap3A_999, %swap3A_1000] {strides = array<i32>} : memref<4096x16xf32, #tpu.memory_space<vmem>>, vector<1x16xf32>,
      %swap3A_1002 = vector.shape_cast %swap3A_1001 : vector<1x16xf32> to vector<16xf32>
      %swap3A_1003 = vector.shape_cast %sub3A_998 : vector<16xf32> to vector<1x16xf32>
      tpu.vector_store %arg7[%swap3A_999, %swap3A_1000], %swap3A_1003 {strides = array<i32>} : memref<4096x16xf32, #tpu.memory_space<vmem>>, vector<1x16xf32>,
      %mul3A_1004 = arith.constant 32 : i32
      %mul3A_1005 = arith.muli %scan3A_651, %mul3A_1004 : i32
      %add3A_1006 = arith.constant 25 : i32
      %add3A_1007 = arith.addi %mul3A_1005, %add3A_1006 : i32
      %get3A_1008 = arith.index_cast %add3A_1007 : i32 to index
      %get3A_1009 = arith.constant 0 : index
      %get3A_1010 = tpu.vector_load %arg7[%get3A_1008, %get3A_1009] {strides = array<i32>} : memref<4096x16xf32, #tpu.memory_space<vmem>>, vector<1x16xf32>,
      %get3A_1011 = vector.shape_cast %get3A_1010 : vector<1x16xf32> to vector<16xf32>
      %sub3A_1012 = arith.subf %get3A_1011, %get3A_655 : vector<16xf32>
      %swap3A_1013 = arith.index_cast %add3A_1007 : i32 to index
      %swap3A_1014 = arith.constant 0 : index
      %swap3A_1015 = tpu.vector_load %arg7[%swap3A_1013, %swap3A_1014] {strides = array<i32>} : memref<4096x16xf32, #tpu.memory_space<vmem>>, vector<1x16xf32>,
      %swap3A_1016 = vector.shape_cast %swap3A_1015 : vector<1x16xf32> to vector<16xf32>
      %swap3A_1017 = vector.shape_cast %sub3A_1012 : vector<16xf32> to vector<1x16xf32>
      tpu.vector_store %arg7[%swap3A_1013, %swap3A_1014], %swap3A_1017 {strides = array<i32>} : memref<4096x16xf32, #tpu.memory_space<vmem>>, vector<1x16xf32>,
      %mul3A_1018 = arith.constant 32 : i32
      %mul3A_1019 = arith.muli %scan3A_651, %mul3A_1018 : i32
      %add3A_1020 = arith.constant 26 : i32
      %add3A_1021 = arith.addi %mul3A_1019, %add3A_1020 : i32
      %get3A_1022 = arith.index_cast %add3A_1021 : i32 to index
      %get3A_1023 = arith.constant 0 : index
      %get3A_1024 = tpu.vector_load %arg7[%get3A_1022, %get3A_1023] {strides = array<i32>} : memref<4096x16xf32, #tpu.memory_space<vmem>>, vector<1x16xf32>,
      %get3A_1025 = vector.shape_cast %get3A_1024 : vector<1x16xf32> to vector<16xf32>
      %sub3A_1026 = arith.subf %get3A_1025, %get3A_655 : vector<16xf32>
      %swap3A_1027 = arith.index_cast %add3A_1021 : i32 to index
      %swap3A_1028 = arith.constant 0 : index
      %swap3A_1029 = tpu.vector_load %arg7[%swap3A_1027, %swap3A_1028] {strides = array<i32>} : memref<4096x16xf32, #tpu.memory_space<vmem>>, vector<1x16xf32>,
      %swap3A_1030 = vector.shape_cast %swap3A_1029 : vector<1x16xf32> to vector<16xf32>
      %swap3A_1031 = vector.shape_cast %sub3A_1026 : vector<16xf32> to vector<1x16xf32>
      tpu.vector_store %arg7[%swap3A_1027, %swap3A_1028], %swap3A_1031 {strides = array<i32>} : memref<4096x16xf32, #tpu.memory_space<vmem>>, vector<1x16xf32>,
      %mul3A_1032 = arith.constant 32 : i32
      %mul3A_1033 = arith.muli %scan3A_651, %mul3A_1032 : i32
      %add3A_1034 = arith.constant 27 : i32
      %add3A_1035 = arith.addi %mul3A_1033, %add3A_1034 : i32
      %get3A_1036 = arith.index_cast %add3A_1035 : i32 to index
      %get3A_1037 = arith.constant 0 : index
      %get3A_1038 = tpu.vector_load %arg7[%get3A_1036, %get3A_1037] {strides = array<i32>} : memref<4096x16xf32, #tpu.memory_space<vmem>>, vector<1x16xf32>,
      %get3A_1039 = vector.shape_cast %get3A_1038 : vector<1x16xf32> to vector<16xf32>
      %sub3A_1040 = arith.subf %get3A_1039, %get3A_655 : vector<16xf32>
      %swap3A_1041 = arith.index_cast %add3A_1035 : i32 to index
      %swap3A_1042 = arith.constant 0 : index
      %swap3A_1043 = tpu.vector_load %arg7[%swap3A_1041, %swap3A_1042] {strides = array<i32>} : memref<4096x16xf32, #tpu.memory_space<vmem>>, vector<1x16xf32>,
      %swap3A_1044 = vector.shape_cast %swap3A_1043 : vector<1x16xf32> to vector<16xf32>
      %swap3A_1045 = vector.shape_cast %sub3A_1040 : vector<16xf32> to vector<1x16xf32>
      tpu.vector_store %arg7[%swap3A_1041, %swap3A_1042], %swap3A_1045 {strides = array<i32>} : memref<4096x16xf32, #tpu.memory_space<vmem>>, vector<1x16xf32>,
      %mul3A_1046 = arith.constant 32 : i32
      %mul3A_1047 = arith.muli %scan3A_651, %mul3A_1046 : i32
      %add3A_1048 = arith.constant 28 : i32
      %add3A_1049 = arith.addi %mul3A_1047, %add3A_1048 : i32
      %get3A_1050 = arith.index_cast %add3A_1049 : i32 to index
      %get3A_1051 = arith.constant 0 : index
      %get3A_1052 = tpu.vector_load %arg7[%get3A_1050, %get3A_1051] {strides = array<i32>} : memref<4096x16xf32, #tpu.memory_space<vmem>>, vector<1x16xf32>,
      %get3A_1053 = vector.shape_cast %get3A_1052 : vector<1x16xf32> to vector<16xf32>
      %sub3A_1054 = arith.subf %get3A_1053, %get3A_655 : vector<16xf32>
      %swap3A_1055 = arith.index_cast %add3A_1049 : i32 to index
      %swap3A_1056 = arith.constant 0 : index
      %swap3A_1057 = tpu.vector_load %arg7[%swap3A_1055, %swap3A_1056] {strides = array<i32>} : memref<4096x16xf32, #tpu.memory_space<vmem>>, vector<1x16xf32>,
      %swap3A_1058 = vector.shape_cast %swap3A_1057 : vector<1x16xf32> to vector<16xf32>
      %swap3A_1059 = vector.shape_cast %sub3A_1054 : vector<16xf32> to vector<1x16xf32>
      tpu.vector_store %arg7[%swap3A_1055, %swap3A_1056], %swap3A_1059 {strides = array<i32>} : memref<4096x16xf32, #tpu.memory_space<vmem>>, vector<1x16xf32>,
      %mul3A_1060 = arith.constant 32 : i32
      %mul3A_1061 = arith.muli %scan3A_651, %mul3A_1060 : i32
      %add3A_1062 = arith.constant 29 : i32
      %add3A_1063 = arith.addi %mul3A_1061, %add3A_1062 : i32
      %get3A_1064 = arith.index_cast %add3A_1063 : i32 to index
      %get3A_1065 = arith.constant 0 : index
      %get3A_1066 = tpu.vector_load %arg7[%get3A_1064, %get3A_1065] {strides = array<i32>} : memref<4096x16xf32, #tpu.memory_space<vmem>>, vector<1x16xf32>,
      %get3A_1067 = vector.shape_cast %get3A_1066 : vector<1x16xf32> to vector<16xf32>
      %sub3A_1068 = arith.subf %get3A_1067, %get3A_655 : vector<16xf32>
      %swap3A_1069 = arith.index_cast %add3A_1063 : i32 to index
      %swap3A_1070 = arith.constant 0 : index
      %swap3A_1071 = tpu.vector_load %arg7[%swap3A_1069, %swap3A_1070] {strides = array<i32>} : memref<4096x16xf32, #tpu.memory_space<vmem>>, vector<1x16xf32>,
      %swap3A_1072 = vector.shape_cast %swap3A_1071 : vector<1x16xf32> to vector<16xf32>
      %swap3A_1073 = vector.shape_cast %sub3A_1068 : vector<16xf32> to vector<1x16xf32>
      tpu.vector_store %arg7[%swap3A_1069, %swap3A_1070], %swap3A_1073 {strides = array<i32>} : memref<4096x16xf32, #tpu.memory_space<vmem>>, vector<1x16xf32>,
      %mul3A_1074 = arith.constant 32 : i32
      %mul3A_1075 = arith.muli %scan3A_651, %mul3A_1074 : i32
      %add3A_1076 = arith.constant 30 : i32
      %add3A_1077 = arith.addi %mul3A_1075, %add3A_1076 : i32
      %get3A_1078 = arith.index_cast %add3A_1077 : i32 to index
      %get3A_1079 = arith.constant 0 : index
      %get3A_1080 = tpu.vector_load %arg7[%get3A_1078, %get3A_1079] {strides = array<i32>} : memref<4096x16xf32, #tpu.memory_space<vmem>>, vector<1x16xf32>,
      %get3A_1081 = vector.shape_cast %get3A_1080 : vector<1x16xf32> to vector<16xf32>
      %sub3A_1082 = arith.subf %get3A_1081, %get3A_655 : vector<16xf32>
      %swap3A_1083 = arith.index_cast %add3A_1077 : i32 to index
      %swap3A_1084 = arith.constant 0 : index
      %swap3A_1085 = tpu.vector_load %arg7[%swap3A_1083, %swap3A_1084] {strides = array<i32>} : memref<4096x16xf32, #tpu.memory_space<vmem>>, vector<1x16xf32>,
      %swap3A_1086 = vector.shape_cast %swap3A_1085 : vector<1x16xf32> to vector<16xf32>
      %swap3A_1087 = vector.shape_cast %sub3A_1082 : vector<16xf32> to vector<1x16xf32>
      tpu.vector_store %arg7[%swap3A_1083, %swap3A_1084], %swap3A_1087 {strides = array<i32>} : memref<4096x16xf32, #tpu.memory_space<vmem>>, vector<1x16xf32>,
      %mul3A_1088 = arith.constant 32 : i32
      %mul3A_1089 = arith.muli %scan3A_651, %mul3A_1088 : i32
      %add3A_1090 = arith.constant 31 : i32
      %add3A_1091 = arith.addi %mul3A_1089, %add3A_1090 : i32
      %get3A_1092 = arith.index_cast %add3A_1091 : i32 to index
      %get3A_1093 = arith.constant 0 : index
      %get3A_1094 = tpu.vector_load %arg7[%get3A_1092, %get3A_1093] {strides = array<i32>} : memref<4096x16xf32, #tpu.memory_space<vmem>>, vector<1x16xf32>,
      %get3A_1095 = vector.shape_cast %get3A_1094 : vector<1x16xf32> to vector<16xf32>
      %sub3A_1096 = arith.subf %get3A_1095, %get3A_655 : vector<16xf32>
      %swap3A_1097 = arith.index_cast %add3A_1091 : i32 to index
      %swap3A_1098 = arith.constant 0 : index
      %swap3A_1099 = tpu.vector_load %arg7[%swap3A_1097, %swap3A_1098] {strides = array<i32>} : memref<4096x16xf32, #tpu.memory_space<vmem>>, vector<1x16xf32>,
      %swap3A_1100 = vector.shape_cast %swap3A_1099 : vector<1x16xf32> to vector<16xf32>
      %swap3A_1101 = vector.shape_cast %sub3A_1096 : vector<16xf32> to vector<1x16xf32>
      tpu.vector_store %arg7[%swap3A_1097, %swap3A_1098], %swap3A_1101 {strides = array<i32>} : memref<4096x16xf32, #tpu.memory_space<vmem>>, vector<1x16xf32>,
      %scan3A_1102 = arith.constant 0 : i32
      scf.yield %scan3A_1102 : i32
    }
    %scan3A_650 = arith.constant 128 : i32
    "tpu.region"() ({
      %run_scoped3A = tpu.sem_alloc : memref<!tpu.dma_semaphore, #tpu.memory_space<semaphore_mem>>
      %dma_start3A_651 = arith.constant 0 : i32
      %dma_start3A_652 = tpu.memref_slice %arg5[%mul3A_2, %dma_start3A_651] : memref<131072x16xf32, #tpu.memory_space<hbm>> -> memref<4096x16xf32, #tpu.memory_space<hbm>>
      %dma_start3A_653 = arith.constant 0 : i32
      %dma_start3A_654 = tpu.memref_slice %arg5[%mul3A_2, %dma_start3A_653] : memref<131072x16xf32, #tpu.memory_space<hbm>> -> memref<4096x16xf32, #tpu.memory_space<hbm>>
      tpu.enqueue_dma source(%arg7 : memref<4096x16xf32, #tpu.memory_space<vmem>>) target(%dma_start3A_654 : memref<4096x16xf32, #tpu.memory_space<hbm>>) target_semaphore(%run_scoped3A : memref<!tpu.dma_semaphore, #tpu.memory_space<semaphore_mem>>)
      %dma_wait3A_655 = arith.constant 0 : i32
      %dma_wait3A_656 = tpu.memref_slice %arg5[%mul3A_2, %dma_wait3A_655] : memref<131072x16xf32, #tpu.memory_space<hbm>> -> memref<4096x16xf32, #tpu.memory_space<hbm>>
      %dma_wait3A_657 = arith.constant 0 : i32
      %dma_wait3A_658 = tpu.memref_slice %arg5[%mul3A_2, %dma_wait3A_657] : memref<131072x16xf32, #tpu.memory_space<hbm>> -> memref<4096x16xf32, #tpu.memory_space<hbm>>
      tpu.wait_dma2 semaphore(%run_scoped3A : memref<!tpu.dma_semaphore, #tpu.memory_space<semaphore_mem>>) src(%arg7 : memref<4096x16xf32, #tpu.memory_space<vmem>>) dst(%dma_wait3A_658 : memref<4096x16xf32, #tpu.memory_space<hbm>>)
      tpu.yield
    }) : () -> ()
    return
  }
}

</mosaic_0001>

<sc_bundles>
// kernel: _run_gather.3.cloned.1.call-start
scs
__scs_entry_jumppad:
0x0: {  	(pc) =	sbr.rel $0x88, $3  }
0x1: {  	(tag) =	ssettag $0x0;
	lr =	simm.s32 $0x1  }
0x2: {  	[smem:$0x3F9E] =	sst lr;
	_ =	strace $0xD0000000  }
0x3: {  	_ = 	snop  }
0x4: {  	_ = 	snop  }
0x5: {  	_ = 	snop  }
0x6: {  	_ = 	snop  }
0x7: {  	_ = 	snop  }
__scs_overlays_trampoline_lowered:
0x8: {  	[smem:$0x3FAD] =	sst s0  }
0x9: {  	[smem:$0x3FAE] =	sst s1  }
0xa: {  	[smem:$0x3FAF] =	sst s2  }
0xb: {  	[smem:$0x3FB0] =	sst s3  }
0xc: {  	[smem:$0x3FB1] =	sst s4  }
0xd: {  	[smem:$0x3FB2] =	sst s5  }
0xe: {  	[smem:$0x3FB3] =	sst s6  }
0xf: {  	[smem:$0x3FB4] =	sst s7  }
0x10: {  	[smem:$0x3FB5] =	sst s8  }
0x11: {  	[smem:$0x3FB6] =	sst s9;
	s0 =	simm.s32 @!p0 $0x0  }
0x12: {  	s1 =	sld [smem:$0x3F9C];
	s0 =	simm.s32 @p0 $0x1  }
0x13: {  	[smem:$0x3FB7] =	sst s0;
	s0 =	simm.s32 @!p1 $0x0  }
0x14: {  	s2 =	sld [smem:$0x3F9B];
	s0 =	simm.s32 @p1 $0x1  }
0x15: {  	[smem:$0x3FB8] =	sst s0;
	s0 =	simm.s32 @!p2 $0x0  }
0x16: {  	s3 =	sld [smem:$0x3FDB];
	s0 =	simm.s32 @p2 $0x1  }
0x17: {  	s4 =	simm.s32 $0x1BF5;
	[smem:$0x3FBA] =	sst s0  }
0x18: {  	s0 =	sld [smem:$0x3F9D];
	_ =	swait.ge [sflag:s4], $0x0  }
0x19: {  	s7 =	sld [smem:$0x3F9E]  }
0x1a: {  	s8 =	sadd.s32 $0xFFFFE003, lr  }
0x1b: {  	s9 =	sadd.s32 $0xFFFFFEF7, lr;
	s5 =	simm.s32 $0xFFFFFFFF;
	p2 =	slt.u32 s8, $0xFFFFF086  }
0x1c: {  	p1 =	slt.u32 s9, $0xF7A;
	s5 =	simm.s32 @!p2 $0x0  }
0x1d: {  	s5 =	simm.s32 @p1 $0x1;
	p0 =	seq.s32 s7, s2  }
0x1e: {  	s7 =	smul.u32 @!p0 $0xF7A, s2;
	p2 =	seq.s32 @!p0 s5, $0x0  }
0x1f: {  	s9 =	smul.u32 $0xF7A, s1;
	s8 =	simm.s32 @!p0 $0x1BF5;
	p2 =	por !p2, p0  }
0x20: {  	[sflag:s8] =	ssyncset.s32 @!p0 $0xFFFFF086;
	s6 =	sadd.s32 @!p0 s3, s7;
	s7 =	simm.s32 @!p0 $0x108  }
0x21: {  	s3 =	sadd.s32 s3, s9;
	s6 =	sadd.s32 @!p0 $0x88, s6;
	s7 =	simm.s32 @p2 $0x1082  }
0x22: {  	[simem:s7], [sflag:s8] =	dma.local @!p0 [hbm:s6], $0xF7A  }
0x23: {  	s9 =	sor.u32 $0xD0000000, s2;
	s6 =	simm.s32 $0x108;
	_ =	swait.ge @!p0 [sflag:s8], $0x0  }
0x24: {  	s3 =	sadd.s32 $0x88, s3;
	s6 =	simm.s32 @!p1 $0x1082;
	[sflag:s4] =	ssyncset.s32 $0xFFFFF086  }
0x25: {  	[simem:s6], [sflag:s4] =	dma.local [hbm:s3], $0xF7A  }
0x26: {  	[smem:$0x3F9E] =	sst s1;
	(tag) =	ssettag s2;
	_ =	strace s9  }
0x27: {  	s1 =	sld [smem:$0x3FAE]  }
0x28: {  	s2 =	sld [smem:$0x3FAF]  }
0x29: {  	s4 =	sld [smem:$0x3FB1]  }
0x2a: {  	p0 =	seq.s32 s5, $0x0;
	s5 =	sld [smem:$0x3FB2]  }
0x2b: {  	s6 =	sld [smem:$0x3FB3]  }
0x2c: {  	s7 =	sld [smem:$0x3FB4]  }
0x2d: {  	s3 =	simm.s32 $0x108;
	s8 =	sld [smem:$0x3FB5]  }
0x2e: {  	s3 =	simm.s32 @!p0 $0x1082;
	s9 =	sld [smem:$0x3FB6]  }
0x2f: {  	lr =	sadd.s32 s0, s3;
	s0 =	sld [smem:$0x3FAD]  }
0x30: {  	s3 =	sld [smem:$0x3FB0]  }
0x31: {  	[smem:$0x3FB9] =	sst s10  }
0x32: {  	s10 =	sld [smem:$0x3FB7];
	_ =	sdelay $0x3  }
0x33: {  	p0 =	seq.s32 s10, $0x1;
	s10 =	sld [smem:$0x3FB9];
	_ =	sdelay $0x3  }
0x34: {  	[smem:$0x3FB9] =	sst s10  }
0x35: {  	s10 =	sld [smem:$0x3FB8];
	_ =	sdelay $0x3  }
0x36: {  	p1 =	seq.s32 s10, $0x1;
	s10 =	sld [smem:$0x3FB9];
	_ =	sdelay $0x3  }
0x37: {  	[smem:$0x3FB9] =	sst s10  }
0x38: {  	s10 =	sld [smem:$0x3FBA]  }
0x39: {  	_ = 	snop;
	(pc) =	sbr.ind lr, $3  }
0x3a: {  	_ = 	snop  }
0x3b: {  	_ = 	snop  }
0x3c: {  	p2 =	seq.s32 s10, $0x1;
	s10 =	sld [smem:$0x3FB9]  }
0x3d: {  	_ =	shalt  }
0x3e: {  	_ =	shalt  }
0x3f: {  	_ =	shalt  }
0x40: {  	_ =	shalt  }
0x41: {  	_ =	shalt  }
0x42: {  	_ =	shalt  }
0x43: {  	_ =	shalt  }
0x44: {  	_ =	shalt  }
0x45: {  	_ =	shalt  }
0x46: {  	_ =	shalt  }
0x47: {  	_ =	shalt  }
0x48: {  	_ =	shalt  }
0x49: {  	_ =	shalt  }
0x4a: {  	_ =	shalt  }
0x4b: {  	_ =	shalt  }
0x4c: {  	_ =	shalt  }
0x4d: {  	_ =	shalt  }
0x4e: {  	_ =	shalt  }
0x4f: {  	_ =	shalt  }
0x50: {  	_ =	shalt  }
0x51: {  	_ =	shalt  }
0x52: {  	_ =	shalt  }
0x53: {  	_ =	shalt  }
0x54: {  	_ =	shalt  }
0x55: {  	_ =	shalt  }
0x56: {  	_ =	shalt  }
0x57: {  	_ =	shalt  }
0x58: {  	_ =	shalt  }
0x59: {  	_ =	shalt  }
0x5a: {  	_ =	shalt  }
0x5b: {  	_ =	shalt  }
0x5c: {  	_ =	shalt  }
0x5d: {  	_ =	shalt  }
0x5e: {  	_ =	shalt  }
0x5f: {  	_ =	shalt  }
0x60: {  	_ =	shalt  }
0x61: {  	_ =	shalt  }
0x62: {  	_ =	shalt  }
0x63: {  	_ =	shalt  }
0x64: {  	_ =	shalt  }
0x65: {  	_ =	shalt  }
0x66: {  	_ =	shalt  }
0x67: {  	_ =	shalt  }
0x68: {  	_ =	shalt  }
0x69: {  	_ =	shalt  }
0x6a: {  	_ =	shalt  }
0x6b: {  	_ =	shalt  }
0x6c: {  	_ =	shalt  }
0x6d: {  	_ =	shalt  }
0x6e: {  	_ =	shalt  }
0x6f: {  	_ =	shalt  }
0x70: {  	_ =	shalt  }
0x71: {  	_ =	shalt  }
0x72: {  	_ =	shalt  }
0x73: {  	_ =	shalt  }
0x74: {  	_ =	shalt  }
0x75: {  	_ =	shalt  }
0x76: {  	_ =	shalt  }
0x77: {  	_ =	shalt  }
0x78: {  	_ =	shalt  }
0x79: {  	_ =	shalt  }
0x7a: {  	_ =	shalt  }
0x7b: {  	_ =	shalt  }
0x7c: {  	_ =	shalt  }
0x7d: {  	_ =	shalt  }
0x7e: {  	_ =	shalt  }
0x7f: {  	_ =	shalt  }
0x80: {  	_ =	shalt  }
0x81: {  	_ =	shalt  }
0x82: {  	_ =	shalt  }
0x83: {  	_ =	shalt  }
0x84: {  	_ =	shalt  }
0x85: {  	_ =	shalt  }
0x86: {  	_ =	shalt  }
0x87: {  	_ =	shalt  }
.Lfunc_end0:
.L_simem_size_0:
called_computation_lowered:
.L_overlay_start_0:
0x88: {  	s2 =	sld [smem:$0x3FD9]  }
0x89: {  	s3 =	sld [smem:$0x3FFE];
	_ =	sdelay $0x1  }
0x8a: {  	s1 =	srdreg.scid  }
0x8b: {  	s0 =	sand.u32 $0x1, s1  }
0x8c: {  	s17 =	sshll.u32 s0, $0xA;
	s2 =	sadd.s32 s3, s2  }
0x8d: {  	s2 =	sadd.s32 s2, s17  }
0x8e: {  	[smem:$0x3FC5] =	sst s2  }
0x8f: {  	_ = 	snop  }
0x90: {  	s2 =	sld [smem:$0x3FC7]  }
0x91: {  	s18 =	sld [smem:$0x3FD0];
	(tm) =	ssettm $0x1  }
0x92: {  	s4 =	sld [smem:$0x3FFB];
	_ =	sdelay $0x3  }
0x93: {  	_ =	strace s4  }
0x94: {  	s4 =	sld [smem:$0x3FFC];
	_ =	sdelay $0x3  }
0x95: {  	_ =	strace s4  }
0x96: {  	s4 =	sld [smem:$0x3FFD];
	_ =	sdelay $0x3  }
0x97: {  	_ =	strace s4  }
0x98: {  	_ =	strace $0x8FFFFFFF  }
0x99: {  	s19 =	sld [smem:$0x3FDB];
	_ =	sdelay $0x1  }
0x9a: {  	s5 =	simm.s32 $_scs_section_size  }
0x9b: {  	s6 =	simm.s32 $_size__tile_overlayer_lowered;
	s7 =	simm.s32 $_tile_overlayer_lowered  }
0x9c: {  	s22 =	simm.s32 $0x1BFF;
	s21 =	sshll.u32 s7, $0x1;
	s4 =	sadd.s32 s5, s19  }
0x9d: {  	s8 =	simm.s32 $0x0;
	s20 =	sshll.u32 s6, $0x1;
	s6 =	sadd.s32 s21, s4  }
0x9e: {  	[timem:s8], [sflag:s22] =	dma.local [hbm:s6], s20  }
0x9f: {  	_ =	swait.ge [sflag:s22], s20  }
0xa0: {  	s5 =	ssub.s32 $0x0, s20;
	[sflag:s22] =	ssyncset.done $0x0  }
0xa1: {  	[sflag:s22] =	ssyncadd.s32 s5;
	_ =	sdelay $0x1  }
0xa2: {  	s23 =	simm.s32 $0x1B8B  }
0xa3: {  	_ =	swait.ge [sflag:s23], $0x1  }
0xa4: {  	[sflag:s23] =	ssyncset.done $0x0  }
0xa5: {  	s25 =	simm.s32 $0x1B8E;
	s24 =	sld [smem:$0x3FFE];
	[sflag:s23] =	ssyncadd.s32 $0xFFFFFFFF  }
0xa6: {  	s26 =	simm.s32 $execute0_lowered;
	[smem:$0x3FD2] =	sst s25  }
0xa7: {  	s6 =	sshll.u32 s26, $0x1;
	_ =	strace $0x80000046;
	[dreg:$0x1] =	wrdreg $0xFFFFFFFF  }
0xa8: {  	s28 =	simm.s32 $_size_execute0_lowered;
	s4 =	sadd.s32 s4, s6;
	[dreg:$0x0] =	wrdreg $0x0  }
0xa9: {  	s6 =	sshll.u32 s28, $0x1;
	[dreg:$0x2] =	wrdreg s4  }
0xaa: {  	[dreg:$0x3] =	wrdreg s6  }
0xab: {  	[dreg:$0x4] =	wrdreg $0xC0  }
0xac: {  	_ =	task [dreg:s8], $0x5FFFF  }
0xad: {  	[dreg:$0x1] =	wrdreg $0xFFFFFFFF  }
0xae: {  	[dreg:$0x0] =	wrdreg $0x60  }
0xaf: {  	[dreg:$0x2] =	wrdreg s18  }
0xb0: {  	[dreg:$0x3] =	wrdreg s24  }
0xb1: {  	[dreg:$0x4] =	wrdreg s2  }
0xb2: {  	[dreg:$0x5] =	wrdreg $0x9  }
0xb3: {  	_ =	task.clear_ibuf [dreg:s8], $0x6FFFF;
	_ =	strace $0x90000046  }
0xb4: {  	s29 =	simm.s32 $0x9;
	_ =	strace $0x80000048  }
0xb5: {  	_ =	swait.ge [sflag:s29], $0x1  }
0xb6: {  	[sflag:s29] =	ssyncadd.s32 $0xFFFFFFFF  }
0xb7: {  	_ =	strace $0x90000048  }
0xb8: {  	_ =	sfence  }
0xb9: {  	s30 =	sld [smem:$0x0];
	_ =	sdelay $0x2  }
0xba: {  	s31 =	sshll.u32 s1, $0xD;
	s1 =	sshrl.u32 s1, $0x2  }
0xbb: {  	s3 =	sand.u32 $0x4000, s31;
	s1 =	sadd.s32 s1, s30  }
0xbc: {  	s0 =	sor.u32 s3, s0;
	s1 =	sshll.u32 s1, $0x11  }
0xbd: {  	s0 =	sor.u32 s1, s0  }
0xbe: {  	s0 =	sadd.s32 $0x8F2B, s0  }
0xbf: {  	[sflag:s0] =	ssyncadd.remote.s32 $0x1  }
0xc0: {  	_ =	sfence.sel $0xFFFF  }
0xc1: {  	[dreg:$0x0] =	wrdreg $0xFFFFFFFF;
	(pc) =	sbr.abs _section_cstart, $3  }
0xc2: {  	[dreg:$0x1] =	wrdreg $0xFFFFFFFF  }
0xc3: {  	_ =	task.clear_ibuf [dreg:s8], $0x2FFFF;
	_ =	strace $0x9FFFFFFF  }
0xc4: {  	(tm) =	ssettm $0x7FFFFFFF  }
0xc5: {  	_ =	shalt  }
tec
execute0_lowered:
.L_overlay_start_1:
0x0: {  	(tag) =	ssettag $0x1  }
0x1: {  	s1 =	rddreg [dreg:$0x0]  }
0x2: {  	s0 =	rddreg [dreg:$0x1]  }
0x3: {  	s2 =	rddreg [dreg:$0x2]  }
0x4: {  	s4 =	srdreg.scid;
	s5 =	stileid.u32  }
0x5: {  	s3 =	simm.s32 $0x0;
	s8 =	simm.s32 $0x2;
	s9 =	simm.s32 $0x80  }
0x6: {  	s10 =	simm.s32 $0x1000;
	s13 =	simm.s32 $0xD000;
	s14 =	simm.s32 $0xC80  }
0x7: {  	s15 =	simm.s32 $0xD800;
	s16 =	simm.s32 $0xD00;
	s17 =	simm.s32 $0xE000  }
0x8: {  	s18 =	simm.s32 $0xD80;
	s19 =	simm.s32 $0xE800;
	s20 =	simm.s32 $0xE00  }
0x9: {  	s21 =	simm.s32 $0xF000;
	s22 =	simm.s32 $0xE80;
	s23 =	simm.s32 $0xF800  }
0xa: {  	s24 =	simm.s32 $0xF00;
	s25 =	simm.s32 $0x10000;
	s28 =	simm.s32 $0x10800  }
0xb: {  	s29 =	simm.s32 $0x1;
	s30 =	simm.s32 $0x11000;
	s31 =	simm.s32 $0x0  }
0xc: {  	s4 =	sand.u32 $0x1, s4;
	s5 =	sshll.u32 s5, $0x1;
	[smem:$0x7FF] =	sst s3  }
0xd: {  	s5 =	sor.u32 s4, s5;
	_ =	strace $0x80000047;
	s4 =	ssub.s32 $0x2, s4  }
0xe: {  	s6 =	sshll.u32 s5, $0x8;
	s7 =	sshll.u32 s5, $0xD;
	s26 =	sshrl.u32 s4, $0x1  }
0xf: {  	s5 =	sshll.u32 s5, $0x9;
	s6 =	sadd.s32 s6, s0;
	s0 =	sadd.s32 s7, s0  }
0x10: {  	s7 =	ssub.s32 s4, s26;
	s4 =	sadd.s32 s2, s5;
	s26 =	simm.s32 $0xF80  }
0x11: {  	s5 =	sadd.s32 $0x600, s6;
	s6 =	sadd.s32 $0x2600, s0;
	s7 =	smax.u32 s7, $0x1  }
.LBB2_1:
0x12: {  	[tilespmem:s3], [sflag:$0x2] =	stream.linear.gather [hbm4b:s4+s3], $0x1000, $0x38;
	[tilespmem:$0x11800] =	vst v63  }
0x13: {  	_ =	swait.ge [sflag:s8], $0x1000  }
0x14: {  	[sflag:s8] =	ssyncset.done $0x0  }
0x15: {  	[sflag:s8] =	ssyncadd.s32 $0xFFFFF000  }
0x16: {  	[tilespmem:s10], [sflag:$0x1] =	stream.indirect.gather [hbm4b:s1+s9], $0x10, s3, s9, $0xb8;
	[tilespmem:$0x11800] =	vst v63  }
0x17: {  	s0 =	simm.s32 $0x1800  }
0x18: {  	[tilespmem:s0], [sflag:$0x1] =	stream.indirect.gather [hbm4b:s1+s9], $0x10, s9, s9, $0xb8;
	[tilespmem:$0x11800] =	vst v63  }
0x19: {  	s12 =	simm.s32 $0x100;
	s2 =	simm.s32 $0x2000  }
0x1a: {  	[tilespmem:s2], [sflag:$0x1] =	stream.indirect.gather [hbm4b:s1+s9], $0x10, s12, s9, $0xb8;
	[tilespmem:$0x11800] =	vst v63  }
0x1b: {  	s11 =	simm.s32 $0x180;
	s12 =	simm.s32 $0x2800  }
0x1c: {  	[tilespmem:s12], [sflag:$0x1] =	stream.indirect.gather [hbm4b:s1+s9], $0x10, s11, s9, $0xb8;
	[tilespmem:$0x11800] =	vst v63  }
0x1d: {  	s11 =	simm.s32 $0x200;
	s12 =	simm.s32 $0x3000  }
0x1e: {  	[tilespmem:s12], [sflag:$0x1] =	stream.indirect.gather [hbm4b:s1+s9], $0x10, s11, s9, $0xb8;
	[tilespmem:$0x11800] =	vst v63  }
0x1f: {  	s11 =	simm.s32 $0x280;
	s12 =	simm.s32 $0x3800  }
0x20: {  	[tilespmem:s12], [sflag:$0x1] =	stream.indirect.gather [hbm4b:s1+s9], $0x10, s11, s9, $0xb8;
	[tilespmem:$0x11800] =	vst v63  }
0x21: {  	s11 =	simm.s32 $0x300;
	s12 =	simm.s32 $0x4000  }
0x22: {  	[tilespmem:s12], [sflag:$0x1] =	stream.indirect.gather [hbm4b:s1+s9], $0x10, s11, s9, $0xb8;
	[tilespmem:$0x11800] =	vst v63  }
0x23: {  	s11 =	simm.s32 $0x380;
	s12 =	simm.s32 $0x4800  }
0x24: {  	[tilespmem:s12], [sflag:$0x1] =	stream.indirect.gather [hbm4b:s1+s9], $0x10, s11, s9, $0xb8;
	[tilespmem:$0x11800] =	vst v63  }
0x25: {  	s11 =	simm.s32 $0x400;
	s12 =	simm.s32 $0x5000  }
0x26: {  	[tilespmem:s12], [sflag:$0x1] =	stream.indirect.gather [hbm4b:s1+s9], $0x10, s11, s9, $0xb8;
	[tilespmem:$0x11800] =	vst v63  }
0x27: {  	s11 =	simm.s32 $0x480;
	s12 =	simm.s32 $0x5800  }
0x28: {  	[tilespmem:s12], [sflag:$0x1] =	stream.indirect.gather [hbm4b:s1+s9], $0x10, s11, s9, $0xb8;
	[tilespmem:$0x11800] =	vst v63  }
0x29: {  	s11 =	simm.s32 $0x500;
	s12 =	simm.s32 $0x6000  }
0x2a: {  	[tilespmem:s12], [sflag:$0x1] =	stream.indirect.gather [hbm4b:s1+s9], $0x10, s11, s9, $0xb8;
	[tilespmem:$0x11800] =	vst v63  }
0x2b: {  	s11 =	simm.s32 $0x580;
	s12 =	simm.s32 $0x6800  }
0x2c: {  	[tilespmem:s12], [sflag:$0x1] =	stream.indirect.gather [hbm4b:s1+s9], $0x10, s11, s9, $0xb8;
	[tilespmem:$0x11800] =	vst v63  }
0x2d: {  	s11 =	simm.s32 $0x600;
	s12 =	simm.s32 $0x7000  }
0x2e: {  	[tilespmem:s12], [sflag:$0x1] =	stream.indirect.gather [hbm4b:s1+s9], $0x10, s11, s9, $0xb8;
	[tilespmem:$0x11800] =	vst v63  }
0x2f: {  	s11 =	simm.s32 $0x680;
	s12 =	simm.s32 $0x7800  }
0x30: {  	[tilespmem:s12], [sflag:$0x1] =	stream.indirect.gather [hbm4b:s1+s9], $0x10, s11, s9, $0xb8;
	[tilespmem:$0x11800] =	vst v63  }
0x31: {  	s11 =	simm.s32 $0x700;
	s12 =	simm.s32 $0x8000  }
0x32: {  	[tilespmem:s12], [sflag:$0x1] =	stream.indirect.gather [hbm4b:s1+s9], $0x10, s11, s9, $0xb8;
	[tilespmem:$0x11800] =	vst v63  }
0x33: {  	s11 =	simm.s32 $0x780;
	s12 =	simm.s32 $0x8800  }
0x34: {  	[tilespmem:s12], [sflag:$0x1] =	stream.indirect.gather [hbm4b:s1+s9], $0x10, s11, s9, $0xb8;
	[tilespmem:$0x11800] =	vst v63  }
0x35: {  	s11 =	simm.s32 $0x800;
	s12 =	simm.s32 $0x9000  }
0x36: {  	[tilespmem:s12], [sflag:$0x1] =	stream.indirect.gather [hbm4b:s1+s9], $0x10, s11, s9, $0xb8;
	[tilespmem:$0x11800] =	vst v63  }
0x37: {  	s11 =	simm.s32 $0x880;
	s12 =	simm.s32 $0x9800  }
0x38: {  	[tilespmem:s12], [sflag:$0x1] =	stream.indirect.gather [hbm4b:s1+s9], $0x10, s11, s9, $0xb8;
	[tilespmem:$0x11800] =	vst v63  }
0x39: {  	s11 =	simm.s32 $0x900;
	s12 =	simm.s32 $0xA000  }
0x3a: {  	[tilespmem:s12], [sflag:$0x1] =	stream.indirect.gather [hbm4b:s1+s9], $0x10, s11, s9, $0xb8;
	[tilespmem:$0x11800] =	vst v63  }
0x3b: {  	s11 =	simm.s32 $0x980;
	s12 =	simm.s32 $0xA800  }
0x3c: {  	[tilespmem:s12], [sflag:$0x1] =	stream.indirect.gather [hbm4b:s1+s9], $0x10, s11, s9, $0xb8;
	[tilespmem:$0x11800] =	vst v63  }
0x3d: {  	s11 =	simm.s32 $0xA00;
	s12 =	simm.s32 $0xB000  }
0x3e: {  	[tilespmem:s12], [sflag:$0x1] =	stream.indirect.gather [hbm4b:s1+s9], $0x10, s11, s9, $0xb8;
	[tilespmem:$0x11800] =	vst v63  }
0x3f: {  	s11 =	simm.s32 $0xA80;
	s12 =	simm.s32 $0xB800  }
0x40: {  	[tilespmem:s12], [sflag:$0x1] =	stream.indirect.gather [hbm4b:s1+s9], $0x10, s11, s9, $0xb8;
	[tilespmem:$0x11800] =	vst v63  }
0x41: {  	s11 =	simm.s32 $0xB00;
	s12 =	simm.s32 $0xC000  }
0x42: {  	[tilespmem:s12], [sflag:$0x1] =	stream.indirect.gather [hbm4b:s1+s9], $0x10, s11, s9, $0xb8;
	[tilespmem:$0x11800] =	vst v63  }
0x43: {  	s11 =	simm.s32 $0xB80;
	s12 =	simm.s32 $0xC800  }
0x44: {  	[tilespmem:s12], [sflag:$0x1] =	stream.indirect.gather [hbm4b:s1+s9], $0x10, s11, s9, $0xb8;
	[tilespmem:$0x11800] =	vst v63  }
0x45: {  	s11 =	simm.s32 $0xC00  }
0x46: {  	[tilespmem:s13], [sflag:$0x1] =	stream.indirect.gather [hbm4b:s1+s9], $0x10, s11, s9, $0xb8;
	[tilespmem:$0x11800] =	vst v63  }
0x47: {  	_ = 	snop  }
0x48: {  	[tilespmem:s15], [sflag:$0x1] =	stream.indirect.gather [hbm4b:s1+s9], $0x10, s14, s9, $0xb8;
	[tilespmem:$0x11800] =	vst v63  }
0x49: {  	_ = 	snop  }
0x4a: {  	[tilespmem:s17], [sflag:$0x1] =	stream.indirect.gather [hbm4b:s1+s9], $0x10, s16, s9, $0xb8;
	[tilespmem:$0x11800] =	vst v63  }
0x4b: {  	_ = 	snop  }
0x4c: {  	[tilespmem:s19], [sflag:$0x1] =	stream.indirect.gather [hbm4b:s1+s9], $0x10, s18, s9, $0xb8;
	[tilespmem:$0x11800] =	vst v63  }
0x4d: {  	_ = 	snop  }
0x4e: {  	[tilespmem:s21], [sflag:$0x1] =	stream.indirect.gather [hbm4b:s1+s9], $0x10, s20, s9, $0xb8;
	[tilespmem:$0x11800] =	vst v63  }
0x4f: {  	_ = 	snop  }
0x50: {  	[tilespmem:s23], [sflag:$0x1] =	stream.indirect.gather [hbm4b:s1+s9], $0x10, s22, s9, $0xb8;
	[tilespmem:$0x11800] =	vst v63  }
0x51: {  	_ = 	snop  }
0x52: {  	[tilespmem:s25], [sflag:$0x1] =	stream.indirect.gather [hbm4b:s1+s9], $0x10, s24, s9, $0xb8;
	[tilespmem:$0x11800] =	vst v63  }
0x53: {  	_ = 	snop  }
0x54: {  	[tilespmem:s28], [sflag:$0x1] =	stream.indirect.gather [hbm4b:s1+s9], $0x10, s26, s9, $0xb8;
	[tilespmem:$0x11800] =	vst v63  }
0x55: {  	_ =	swait.ge [sflag:s29], $0x800  }
0x56: {  	[sflag:s29] =	ssyncset.done $0x0  }
0x57: {  	[sflag:s29] =	ssyncadd.s32 $0xFFFFF800  }
0x58: {  	_ =	swait.ge [sflag:s29], $0x800  }
0x59: {  	[sflag:s29] =	ssyncset.done $0x0  }
0x5a: {  	[sflag:s29] =	ssyncadd.s32 $0xFFFFF800  }
0x5b: {  	_ =	swait.ge [sflag:s29], $0x800  }
0x5c: {  	[sflag:s29] =	ssyncset.done $0x0  }
0x5d: {  	[sflag:s29] =	ssyncadd.s32 $0xFFFFF800  }
0x5e: {  	_ =	swait.ge [sflag:s29], $0x800  }
0x5f: {  	[sflag:s29] =	ssyncset.done $0x0  }
0x60: {  	[sflag:s29] =	ssyncadd.s32 $0xFFFFF800  }
0x61: {  	_ =	swait.ge [sflag:s29], $0x800  }
0x62: {  	[sflag:s29] =	ssyncset.done $0x0  }
0x63: {  	[sflag:s29] =	ssyncadd.s32 $0xFFFFF800  }
0x64: {  	_ =	swait.ge [sflag:s29], $0x800  }
0x65: {  	[sflag:s29] =	ssyncset.done $0x0  }
0x66: {  	[sflag:s29] =	ssyncadd.s32 $0xFFFFF800  }
0x67: {  	_ =	swait.ge [sflag:s29], $0x800  }
0x68: {  	[sflag:s29] =	ssyncset.done $0x0  }
0x69: {  	[sflag:s29] =	ssyncadd.s32 $0xFFFFF800  }
0x6a: {  	_ =	swait.ge [sflag:s29], $0x800  }
0x6b: {  	[sflag:s29] =	ssyncset.done $0x0  }
0x6c: {  	[sflag:s29] =	ssyncadd.s32 $0xFFFFF800  }
0x6d: {  	_ =	swait.ge [sflag:s29], $0x800  }
0x6e: {  	[sflag:s29] =	ssyncset.done $0x0  }
0x6f: {  	[sflag:s29] =	ssyncadd.s32 $0xFFFFF800  }
0x70: {  	_ =	swait.ge [sflag:s29], $0x800  }
0x71: {  	[sflag:s29] =	ssyncset.done $0x0  }
0x72: {  	[sflag:s29] =	ssyncadd.s32 $0xFFFFF800  }
0x73: {  	_ =	swait.ge [sflag:s29], $0x800  }
0x74: {  	[sflag:s29] =	ssyncset.done $0x0  }
0x75: {  	[sflag:s29] =	ssyncadd.s32 $0xFFFFF800  }
0x76: {  	_ =	swait.ge [sflag:s29], $0x800  }
0x77: {  	[sflag:s29] =	ssyncset.done $0x0  }
0x78: {  	[sflag:s29] =	ssyncadd.s32 $0xFFFFF800  }
0x79: {  	_ =	swait.ge [sflag:s29], $0x800  }
0x7a: {  	[sflag:s29] =	ssyncset.done $0x0  }
0x7b: {  	[sflag:s29] =	ssyncadd.s32 $0xFFFFF800  }
0x7c: {  	_ =	swait.ge [sflag:s29], $0x800  }
0x7d: {  	[sflag:s29] =	ssyncset.done $0x0  }
0x7e: {  	[sflag:s29] =	ssyncadd.s32 $0xFFFFF800  }
0x7f: {  	_ =	swait.ge [sflag:s29], $0x800  }
0x80: {  	[sflag:s29] =	ssyncset.done $0x0  }
0x81: {  	[sflag:s29] =	ssyncadd.s32 $0xFFFFF800  }
0x82: {  	_ =	swait.ge [sflag:s29], $0x800  }
0x83: {  	[sflag:s29] =	ssyncset.done $0x0  }
0x84: {  	[sflag:s29] =	ssyncadd.s32 $0xFFFFF800  }
0x85: {  	_ =	swait.ge [sflag:s29], $0x800  }
0x86: {  	[sflag:s29] =	ssyncset.done $0x0  }
0x87: {  	[sflag:s29] =	ssyncadd.s32 $0xFFFFF800  }
0x88: {  	_ =	swait.ge [sflag:s29], $0x800  }
0x89: {  	[sflag:s29] =	ssyncset.done $0x0  }
0x8a: {  	[sflag:s29] =	ssyncadd.s32 $0xFFFFF800  }
0x8b: {  	_ =	swait.ge [sflag:s29], $0x800  }
0x8c: {  	[sflag:s29] =	ssyncset.done $0x0  }
0x8d: {  	[sflag:s29] =	ssyncadd.s32 $0xFFFFF800  }
0x8e: {  	_ =	swait.ge [sflag:s29], $0x800  }
0x8f: {  	[sflag:s29] =	ssyncset.done $0x0  }
0x90: {  	[sflag:s29] =	ssyncadd.s32 $0xFFFFF800  }
0x91: {  	_ =	swait.ge [sflag:s29], $0x800  }
0x92: {  	[sflag:s29] =	ssyncset.done $0x0  }
0x93: {  	[sflag:s29] =	ssyncadd.s32 $0xFFFFF800  }
0x94: {  	_ =	swait.ge [sflag:s29], $0x800  }
0x95: {  	[sflag:s29] =	ssyncset.done $0x0  }
0x96: {  	[sflag:s29] =	ssyncadd.s32 $0xFFFFF800  }
0x97: {  	_ =	swait.ge [sflag:s29], $0x800  }
0x98: {  	[sflag:s29] =	ssyncset.done $0x0  }
0x99: {  	[sflag:s29] =	ssyncadd.s32 $0xFFFFF800  }
0x9a: {  	_ =	swait.ge [sflag:s29], $0x800  }
0x9b: {  	[sflag:s29] =	ssyncset.done $0x0  }
0x9c: {  	[sflag:s29] =	ssyncadd.s32 $0xFFFFF800  }
0x9d: {  	_ =	swait.ge [sflag:s29], $0x800  }
0x9e: {  	[sflag:s29] =	ssyncset.done $0x0  }
0x9f: {  	[sflag:s29] =	ssyncadd.s32 $0xFFFFF800  }
0xa0: {  	_ =	swait.ge [sflag:s29], $0x800  }
0xa1: {  	[sflag:s29] =	ssyncset.done $0x0  }
0xa2: {  	[sflag:s29] =	ssyncadd.s32 $0xFFFFF800  }
0xa3: {  	_ =	swait.ge [sflag:s29], $0x800  }
0xa4: {  	[sflag:s29] =	ssyncset.done $0x0  }
0xa5: {  	[sflag:s29] =	ssyncadd.s32 $0xFFFFF800  }
0xa6: {  	_ =	swait.ge [sflag:s29], $0x800  }
0xa7: {  	[sflag:s29] =	ssyncset.done $0x0  }
0xa8: {  	[sflag:s29] =	ssyncadd.s32 $0xFFFFF800  }
0xa9: {  	_ =	swait.ge [sflag:s29], $0x800  }
0xaa: {  	[sflag:s29] =	ssyncset.done $0x0  }
0xab: {  	[sflag:s29] =	ssyncadd.s32 $0xFFFFF800  }
0xac: {  	_ =	swait.ge [sflag:s29], $0x800  }
0xad: {  	[sflag:s29] =	ssyncset.done $0x0  }
0xae: {  	[sflag:s29] =	ssyncadd.s32 $0xFFFFF800  }
0xaf: {  	_ =	swait.ge [sflag:s29], $0x800  }
0xb0: {  	[sflag:s29] =	ssyncset.done $0x0  }
0xb1: {  	[sflag:s29] =	ssyncadd.s32 $0xFFFFF800  }
0xb2: {  	_ =	swait.ge [sflag:s29], $0x800  }
0xb3: {  	[sflag:s29] =	ssyncset.done $0x0  }
0xb4: {  	[sflag:s29] =	ssyncadd.s32 $0xFFFFF800  }
0xb5: {  	[tilespmem:s30], [sflag:$0x2] =	stream.linear.gather [hbm4b:s5+s3], $0x800, $0x38;
	[tilespmem:$0x11800] =	vst v63  }
0xb6: {  	_ =	swait.ge [sflag:s8], $0x800  }
0xb7: {  	[sflag:s8] =	ssyncset.done $0x0  }
0xb8: {  	s0 =	simm.s32 $0x1100;
	[sflag:s8] =	ssyncadd.s32 $0xFFFFF800  }
0xb9: {  	v2 =	vld [tilespmem:s0+$0x70]  }
0xba: {  	v0 =	vld [tilespmem:s0+$0xFFFFFFF0]  }
0xbb: {  	v10 =	vld [tilespmem:s0+$0x90]  }
0xbc: {  	v17 =	vld [tilespmem:s0+$0xF0]  }
0xbd: {  	v6 =	vld [tilespmem:s0+$0x60]  }
0xbe: {  	v11 =	vld [tilespmem:s0+$0xA0]  }
0xbf: {  	v13 =	vld [tilespmem:s0+$0xB0]  }
0xc0: {  	v22 =	vld [tilespmem:s0+$0xD0]  }
0xc1: {  	v14 =	vld [tilespmem:s0+$0xFFFFFF00]  }
0xc2: {  	v1 =	vld [tilespmem:s0+$0x50]  }
0xc3: {  	v8 =	vld [tilespmem:s0+$0x80]  }
0xc4: {  	v5 =	vld [tilespmem:s0+$0xFFFFFF80]  }
0xc5: {  	v15 =	vld [tilespmem:s0+$0xE0]  }
0xc6: {  	v12 =	vld [tilespmem:s0+$0xFFFFFF70]  }
0xc7: {  	v9 =	vld [tilespmem:s0+$0xFFFFFFC0]  }
0xc8: {  	v4 =	vld [tilespmem:s0+$0x40]  }
0xc9: {  	s12 =	simm.s32 $0x0;
	v7 =	vld [tilespmem:s0+$0xFFFFFFE0]  }
0xca: {  	v3 =	vld [tilespmem:s12+$0x11000]  }
0xcb: {  	v19 =	vld [tilespmem:s0+$0xFFFFFF20]  }
0xcc: {  	v20 =	vld [tilespmem:s0+$0xFFFFFF10]  }
0xcd: {  	v16 =	vld [tilespmem:s0+$0xFFFFFF30]  }
0xce: {  	v18 =	vld [tilespmem:s0+$0xC0]  }
0xcf: {  	v21 =	vsub.f32 v14, v3;
	v14 =	vld [tilespmem:s0+$0xFFFFFF40];
	v23 =	vsub.f32 v17, v3  }
0xd0: {  	s2 =	simm.s32 $0x40;
	s11 =	simm.s32 $0x1100;
	v17 =	vsub.f32 v19, v3;
	v19 =	vld [tilespmem:s0+$0xFFFFFF60];
	v22 =	vsub.f32 v22, v3  }
.LBB2_2:
0xd1: {  	p0 =	sne.s32 s2, $0x1FC0  }
0xd2: {  	v20 =	vsub.f32 v20, v3;
	v24 =	vld [tilespmem:s0+$0xFFFFFFD0];
	v13 =	vsub.f32 v13, v3;
	[tilespmem:s0+$0xF0] =	vst v23;
	s11 =	sadd.s32 $0x200, s11;
	s12 =	smov.u32 s2;
	s2 =	sadd.s32 $0x40, s2  }
0xd3: {  	v15 =	vsub.f32 v15, v3;
	[tilespmem:s0+$0xFFFFFF00] =	vst v21;
	v16 =	vsub.f32 v16, v3;
	v21 =	vld [tilespmem:s0+$0xFFFFFFA0]  }
0xd4: {  	v10 =	vsub.f32 v10, v3;
	v23 =	vld [tilespmem:s0+$0xFFFFFF50];
	v18 =	vsub.f32 v18, v3;
	[tilespmem:s0+$0xD0] =	vst v22  }
0xd5: {  	v11 =	vsub.f32 v11, v3;
	v14 =	vsub.f32 v14, v3;
	v22 =	vld [tilespmem:s0+$0xFFFFFF90];
	[tilespmem:s0+$0xB0] =	vst v13  }
0xd6: {  	v12 =	vsub.f32 v12, v3;
	v13 =	vsub.f32 v19, v3;
	v19 =	vld [tilespmem:s0+$0x0];
	[tilespmem:s0+$0x90] =	vst v10  }
0xd7: {  	v5 =	vsub.f32 v5, v3;
	v2 =	vsub.f32 v2, v3;
	v10 =	vld [tilespmem:s0+$0x20];
	[tilespmem:s0+$0xE0] =	vst v15  }
0xd8: {  	v6 =	vsub.f32 v6, v3;
	v21 =	vsub.f32 v21, v3;
	v15 =	vld [tilespmem:s0+$0x10];
	[tilespmem:s0+$0xA0] =	vst v11  }
0xd9: {  	v8 =	vsub.f32 v8, v3;
	[tilespmem:s0+$0xFFFFFF20] =	vst v17;
	v17 =	vsub.f32 v23, v3;
	v11 =	vld [tilespmem:s0+$0x30]  }
0xda: {  	v9 =	vsub.f32 v9, v3;
	v22 =	vsub.f32 v22, v3;
	v23 =	vld [tilespmem:s0+$0xFFFFFFB0];
	[tilespmem:s0+$0x70] =	vst v2  }
0xdb: {  	v7 =	vsub.f32 v7, v3;
	v24 =	vsub.f32 v24, v3;
	v2 =	vld [tilespmem:s11+$0x70];
	[tilespmem:s0+$0x60] =	vst v6  }
0xdc: {  	v19 =	vsub.f32 v19, v3;
	[tilespmem:s0+$0xFFFFFF70] =	vst v12;
	v12 =	vsub.f32 v0, v3  }
0xdd: {  	v26 =	vsub.f32 v10, v3;
	v25 =	vsub.f32 v15, v3;
	[tilespmem:s0+$0x80] =	vst v8  }
0xde: {  	v4 =	vsub.f32 v4, v3;
	[tilespmem:s0+$0xFFFFFF10] =	vst v20;
	v8 =	vsub.f32 v11, v3  }
0xdf: {  	v1 =	vsub.f32 v1, v3;
	v15 =	vsub.f32 v23, v3;
	[tilespmem:s0+$0xC0] =	vst v18  }
0xe0: {  	[tilespmem:s0+$0xFFFFFF60] =	vst v13  }
0xe1: {  	[tilespmem:s0+$0xFFFFFFC0] =	vst v9  }
0xe2: {  	v0 =	vld [tilespmem:s11+$0xFFFFFFF0];
	[tilespmem:s0+$0xFFFFFF30] =	vst v16  }
0xe3: {  	v10 =	vld [tilespmem:s11+$0x90];
	[tilespmem:s0+$0x50] =	vst v1  }
0xe4: {  	v23 =	vld [tilespmem:s11+$0xF0];
	[tilespmem:s0+$0xFFFFFFE0] =	vst v7  }
0xe5: {  	v6 =	vld [tilespmem:s11+$0x60];
	[tilespmem:s0+$0xFFFFFF40] =	vst v14  }
0xe6: {  	v11 =	vld [tilespmem:s11+$0xA0];
	[tilespmem:s0+$0x40] =	vst v4  }
0xe7: {  	v13 =	vld [tilespmem:s11+$0xB0];
	[tilespmem:s0+$0xFFFFFFD0] =	vst v24  }
0xe8: {  	v24 =	vld [tilespmem:s11+$0xD0];
	[tilespmem:s0+$0x30] =	vst v8  }
0xe9: {  	v14 =	vld [tilespmem:s11+$0xFFFFFF00];
	[tilespmem:s0+$0xFFFFFF50] =	vst v17  }
0xea: {  	v1 =	vld [tilespmem:s11+$0x50];
	[tilespmem:s0+$0xFFFFFFB0] =	vst v15  }
0xeb: {  	v8 =	vld [tilespmem:s11+$0x80];
	[tilespmem:s0+$0xFFFFFF80] =	vst v5  }
0xec: {  	v5 =	vld [tilespmem:s11+$0xFFFFFF80];
	[tilespmem:s0+$0x0] =	vst v19  }
0xed: {  	v15 =	vld [tilespmem:s11+$0xE0];
	[tilespmem:s0+$0xFFFFFFF0] =	vst v12  }
0xee: {  	v12 =	vld [tilespmem:s11+$0xFFFFFF70];
	[tilespmem:s0+$0x20] =	vst v26  }
0xef: {  	v9 =	vld [tilespmem:s11+$0xFFFFFFC0];
	[tilespmem:s0+$0xFFFFFFA0] =	vst v21  }
0xf0: {  	v4 =	vld [tilespmem:s11+$0x40];
	[tilespmem:s0+$0xFFFFFF90] =	vst v22  }
0xf1: {  	s12 =	sshra.s32 s12, $0x2;
	v7 =	vld [tilespmem:s11+$0xFFFFFFE0];
	[tilespmem:s0+$0x10] =	vst v25;
	s0 =	smov.u32 s11  }
0xf2: {  	v3 =	vld [tilespmem:s12+$0x11000]  }
0xf3: {  	v17 =	vld [tilespmem:s11+$0xFFFFFF20]  }
.Ltmp0:
0xf4: {  	v20 =	vld [tilespmem:s11+$0xFFFFFF10];
	(pc) =	sbr.rel @p0 .LBB2_2-.Ltmp0, $4  }
0xf5: {  	v16 =	vld [tilespmem:s11+$0xFFFFFF30]  }
0xf6: {  	v18 =	vld [tilespmem:s11+$0xC0]  }
0xf7: {  	v21 =	vsub.f32 v14, v3;
	v14 =	vld [tilespmem:s11+$0xFFFFFF40];
	v23 =	vsub.f32 v23, v3  }
0xf8: {  	v22 =	vsub.f32 v24, v3;
	v17 =	vsub.f32 v17, v3;
	v19 =	vld [tilespmem:s11+$0xFFFFFF60]  }
0xf9: {  	[tilespmem:s0+$0xF0] =	vst v23  }
0xfa: {  	[tilespmem:s0+$0xFFFFFF00] =	vst v21  }
0xfb: {  	v13 =	vsub.f32 v13, v3;
	[tilespmem:s0+$0xD0] =	vst v22  }
0xfc: {  	v10 =	vsub.f32 v10, v3;
	[tilespmem:s0+$0xFFFFFF20] =	vst v17  }
0xfd: {  	v15 =	vsub.f32 v15, v3;
	[tilespmem:s0+$0xB0] =	vst v13  }
0xfe: {  	v11 =	vsub.f32 v11, v3;
	[tilespmem:s0+$0x90] =	vst v10  }
0xff: {  	v2 =	vsub.f32 v2, v3;
	[tilespmem:s0+$0xE0] =	vst v15  }
0x100: {  	v6 =	vsub.f32 v6, v3;
	[tilespmem:s0+$0xA0] =	vst v11  }
0x101: {  	v12 =	vsub.f32 v12, v3;
	[tilespmem:s0+$0x70] =	vst v2  }
0x102: {  	v8 =	vsub.f32 v8, v3;
	[tilespmem:s0+$0x60] =	vst v6  }
0x103: {  	v44 =	vsub.f32 v20, v3;
	[tilespmem:s0+$0xFFFFFF70] =	vst v12  }
0x104: {  	v9 =	vsub.f32 v9, v3;
	[tilespmem:s0+$0x80] =	vst v8  }
0x105: {  	v1 =	vsub.f32 v1, v3;
	[tilespmem:s0+$0xFFFFFF10] =	vst v44  }
0x106: {  	v7 =	vsub.f32 v7, v3;
	[tilespmem:s0+$0xFFFFFFC0] =	vst v9  }
0x107: {  	v54 =	vsub.f32 v4, v3;
	[tilespmem:s0+$0x50] =	vst v1  }
0x108: {  	v5 =	vsub.f32 v5, v3;
	[tilespmem:s0+$0xFFFFFFE0] =	vst v7  }
0x109: {  	v47 =	vld [tilespmem:s0+$0xFFFFFFD0];
	v0 =	vsub.f32 v0, v3;
	[tilespmem:s0+$0x40] =	vst v54  }
0x10a: {  	v42 =	vld [tilespmem:s0+$0x30];
	v48 =	vsub.f32 v16, v3;
	[tilespmem:s0+$0xFFFFFF80] =	vst v5  }
0x10b: {  	v40 =	vld [tilespmem:s0+$0xFFFFFF50];
	v45 =	vsub.f32 v18, v3;
	[tilespmem:s0+$0xFFFFFFF0] =	vst v0  }
0x10c: {  	v49 =	vld [tilespmem:s0+$0xFFFFFFB0];
	[tilespmem:s0+$0xFFFFFF30] =	vst v48;
	v52 =	vsub.f32 v14, v3  }
0x10d: {  	v50 =	vld [tilespmem:s0+$0x0];
	v46 =	vsub.f32 v19, v3;
	[tilespmem:s0+$0xC0] =	vst v45  }
0x10e: {  	v51 =	vld [tilespmem:s0+$0x20];
	v55 =	vsub.f32 v47, v3;
	[tilespmem:s0+$0xFFFFFF40] =	vst v52  }
0x10f: {  	v41 =	vld [tilespmem:s0+$0xFFFFFFA0];
	v56 =	vsub.f32 v42, v3;
	[tilespmem:s0+$0xFFFFFF60] =	vst v46  }
0x110: {  	v43 =	vld [tilespmem:s0+$0xFFFFFF90];
	v57 =	vsub.f32 v40, v3;
	[tilespmem:s0+$0xFFFFFFD0] =	vst v55  }
0x111: {  	v53 =	vld [tilespmem:s0+$0x10];
	v58 =	vsub.f32 v49, v3;
	[tilespmem:s0+$0x30] =	vst v56  }
0x112: {  	v59 =	vsub.f32 v50, v3;
	[tilespmem:s0+$0xFFFFFF50] =	vst v57  }
0x113: {  	v60 =	vsub.f32 v51, v3;
	[tilespmem:s0+$0xFFFFFFB0] =	vst v58  }
0x114: {  	v61 =	vsub.f32 v41, v3;
	[tilespmem:s0+$0x0] =	vst v59  }
0x115: {  	v62 =	vsub.f32 v43, v3;
	[tilespmem:s0+$0x20] =	vst v60  }
0x116: {  	s31 =	sadd.s32 $0x1, s31;
	v63 =	vsub.f32 v53, v3;
	[tilespmem:s0+$0xFFFFFFA0] =	vst v61  }
0x117: {  	p0 =	sne.s32 s31, s7;
	[tilespmem:s0+$0xFFFFFF90] =	vst v62  }
.Ltmp1:
0x118: {  	[tilespmem:s0+$0x10] =	vst v63;
	(pc) =	sbr.rel @p0 .LBB2_1-.Ltmp1, $4  }
0x119: {  	[hbm4b:s6+s3] =	stream.linear.scatter [tilespmem:s10], [sflag:$0x2], $0x10000, $0x38;
	[tilespmem:$0x11800] =	vst v63  }
0x11a: {  	_ =	swait.ge [sflag:s8], $0x10000  }
0x11b: {  	[sflag:s8] =	ssyncset.done $0x0  }
0x11c: {  	[sflag:s8] =	ssyncadd.s32 $0xFFFF0000  }
0x11d: {  	_ =	sfence.sel $0x180000  }
0x11e: {  	[bflag:$0x0] =	sbarrier.arrive $0xFFFF  }
0x11f: {  	_ =	strace $0x90000047  }
0x120: {  	s0 =	stileid.u32;
	[bflag:$0x2] =	sbarrier.arrive $0xFFFF  }
0x121: {  	p0 =	sne.s32 s0, $0x0;
	s0 =	rddreg [dreg:$0x3]  }
0x122: {  	s0 =	sadd.s32 @!p0 $0x100000, s0  }
0x123: {  	[sflag:s0] =	ssyncadd.tile.s32 @!p0 $0x1;
	_ =	shalt  }
.Lfunc_end2:
_tile_overlayer_lowered:
.L_overlay_start_2:
0x124: {  	(tag) =	ssettag $0x2  }
0x125: {  	s0 =	rddreg [dreg:$0x0];
	s2 =	stileid.u32  }
0x126: {  	s1 =	rddreg [dreg:$0x1];
	p0 =	sne.s32 s2, $0x0  }
0x127: {  	s3 =	rddreg [dreg:$0x2];
	[bflag:$0x3] =	sbarrier.arrive $0xFFFF;
	s2 =	simm.s32 @!p0 $0x1C02  }
0x128: {  	[timem:s3], [sflag:s2] =	dma.local @!p0 [hbm:s0], s1  }
0x129: {  	s0 =	simm.s32 @!p0 $0x2  }
0x12a: {  	_ =	swait.ge @!p0 [sflag:s0], s1  }
0x12b: {  	s1 =	ssub.s32 @!p0 $0x0, s1;
	[sflag:s0] =	ssyncset.done @!p0 $0x0  }
0x12c: {  	[sflag:s0] =	ssyncadd.s32 @!p0 s1  }
0x12d: {  	[bflag:$0x3] =	sbarrier.arrive $0xFFFF  }
0x12e: {  	_ =	shalt  }

</sc_bundles>
